<compile_context>
chip_gen: v7x
topology: tpu7x:2x2x1
jax: 0.10.2.dev20260603
libtpu: 0.0.44.dev20260713+nightly
codegen_flags: <defaults>
</compile_context>

<pallas_src>
import functools

import jax
import jax.numpy as jnp
from jax import lax
from jax.experimental import pallas as pl
from jax.experimental.pallas import tpu as pltpu
from jax.experimental.pallas import tpu_sc as plsc

_TOK = 8 * 576
_D = 64
_K = 8192
_T = 512
_NT = _TOK // _T
_KC = 1024
_NKC = _K // _KC
_LANES = 128


def _vq_tc_body(zin_ref, emb_ref, e2_ref, idx_ref, dsum_ref):
    zin = zin_ref[...]
    z = zin[:, :_D]
    z2 = zin[:, _D:_D + 1]
    rm = None
    ri = None
    for c in range(_NKC):
        s2 = lax.dot_general(z, emb_ref[c * _KC:(c + 1) * _KC, :],
                             (((1,), (1,)), ((), ())),
                             preferred_element_type=jnp.float32)
        d = (z2 + e2_ref[:, c * _KC:(c + 1) * _KC]) - s2
        for v in range(_KC // _LANES):
            dv = d[:, v * _LANES:(v + 1) * _LANES]
            base = jnp.int32(c * _KC + v * _LANES)
            if rm is None:
                rm = dv
                ri = jnp.full((_T, _LANES), base, jnp.int32)
            else:
                upd = dv < rm
                rm = jnp.where(upd, dv, rm)
                ri = jnp.where(upd, base, ri)
    kfull = ri + lax.broadcasted_iota(jnp.int32, (_T, _LANES), 1)
    m = jnp.min(rm, axis=1, keepdims=True)
    idx = jnp.min(jnp.where(rm == m, kfull, _K), axis=1)
    idx_ref[0, 0, :] = idx.astype(jnp.int32)

    @pl.when(pl.program_id(0) == 0)
    def _init():
        dsum_ref[0, 0] = 0.0

    dsum_ref[0, 0] += jnp.sum(m)


def _tc_argmin(zin, emb, e2):
    return pl.pallas_call(
        _vq_tc_body,
        grid=(_NT,),
        in_specs=[
            pl.BlockSpec((_T, 72), lambda i: (i, 0)),
            pl.BlockSpec((_K, _D), lambda i: (0, 0)),
            pl.BlockSpec((1, _K), lambda i: (0, 0)),
        ],
        out_specs=[
            pl.BlockSpec((1, 1, _T), lambda i: (i, 0, 0)),
            pl.BlockSpec(memory_space=pltpu.SMEM),
        ],
        out_shape=[
            jax.ShapeDtypeStruct((_NT, 1, _T), jnp.int32),
            jax.ShapeDtypeStruct((1, 1), jnp.float32),
        ],
    )(zin, emb, e2)


def _sc_gather(table, idx):
    info = plsc.get_sparse_core_info()
    nc = info.num_cores
    nw = nc * info.num_subcores
    bpw = _TOK // nw
    mesh = plsc.VectorSubcoreMesh(core_axis_name="c", subcore_axis_name="s")

    @functools.partial(
        pl.kernel, mesh=mesh,
        out_type=jax.ShapeDtypeStruct((_TOK, _D), jnp.float32),
        compiler_params=pltpu.CompilerParams(use_tc_tiling_on_sc=False),
        scratch_types=[
            pltpu.VMEM((bpw,), jnp.int32),
            pltpu.VMEM((bpw, _D), jnp.float32),
            pltpu.SemaphoreType.DMA,
        ],
    )
    def gk(table_hbm, idx_hbm, q_out, idx_v, rows_v, sem):
        wid = lax.axis_index("s") * nc + lax.axis_index("c")
        base = wid * bpw
        pltpu.sync_copy(idx_hbm.at[pl.ds(base, bpw)], idx_v)
        pltpu.async_copy(table_hbm.at[idx_v], rows_v, sem).wait()
        pltpu.sync_copy(rows_v, q_out.at[pl.ds(base, bpw)])

    return gk(table, idx)


def kernel(z, emb_weight):
    z = z.astype(jnp.float32)
    b, n, dim = z.shape
    zf = z.reshape(-1, dim)
    z2 = jnp.sum(zf ** 2, axis=1, keepdims=True)
    e2 = jnp.sum(emb_weight ** 2, axis=1)[None, :]
    zin = jnp.concatenate(
        [zf * 2.0, z2, jnp.zeros((_TOK, 7), jnp.float32)], axis=1)

    idx3, dsum = _tc_argmin(zin, emb_weight, e2)
    idx = idx3.reshape(-1)
    quantized = _sc_gather(emb_weight, idx)

    mse = dsum[0, 0] / (_TOK * _D)
    loss_commit = mse
    loss_codebook = mse
    loss = 0.25 * loss_commit + 1.0 * loss_codebook
    zero = jnp.zeros((), jnp.float32)
    return (z, emb_weight, quantized.reshape(z.shape), idx.reshape(b, n),
            loss, loss_commit, loss_codebook, zero, zero, zero)

# --- scband reference (transcript-rebuilt; emitter-appended) ---
"""Pipeline reference for scband-simple-vector-quantizer-7876970021322 (READ-ONLY COPY).

The authoritative reference and input builder live on the scoring server;
editing this copy changes nothing except your own understanding.
"""

import jax, jax.numpy as jnp
import numpy as np


def setup_inputs(seed: int = 0) -> dict:
    key = jax.random.key(seed)
    k1, k2 = jax.random.split(key)
    z = jax.random.normal(k1, (8, 576, 64), dtype=jnp.float32)
    # kaiming_uniform_ on [K, dim]: fan_in = dim, bound = sqrt(6/fan_in)
    bound = float(np.sqrt(6.0 / 64.0))
    emb_weight = jax.random.uniform(k2, (8192, 64), minval=-bound, maxval=bound, dtype=jnp.float32)
    return {"z": z, "emb_weight": emb_weight}


def reference(z, emb_weight):
    # SimpleVectorQuantizer.forward with l2_normalized=False, stochastic=False,
    # entropy_loss_weight=0.0, beta=0.25, codebook_loss_weight=1.0
    z = z.astype(jnp.float32)
    emb = emb_weight  # get_emb() without l2 normalization
    b, n, dim = z.shape
    z_flattened = z.reshape(-1, dim)  # (b n) d
    # d = ||z||^2 + ||e||^2 - 2 z.e
    d = (jnp.sum(z_flattened ** 2, axis=1, keepdims=True)
         + jnp.sum(emb ** 2, axis=1)
         - 2.0 * jnp.einsum('bd,dn->bn', z_flattened, emb.T))
    q_indices = jnp.argmin(d, axis=1)
    quantized = jnp.take(emb, q_indices, axis=0).reshape(z.shape)
    loss_commit = jnp.mean((jax.lax.stop_gradient(quantized) - z) ** 2)
    loss_codebook = jnp.mean((quantized - jax.lax.stop_gradient(z)) ** 2)
    loss_entropy = jnp.array(0.0, dtype=z.dtype)
    sample_entropy = jnp.array(0.0, dtype=z.dtype)
    avg_entropy = jnp.array(0.0, dtype=z.dtype)
    loss = 0.25 * loss_commit + 1.0 * loss_codebook + 0.0 * loss_entropy
    # straight-through estimator
    quantized_ste = z + jax.lax.stop_gradient(quantized - z)
    q_indices_out = q_indices.reshape(b, n)  # same_index_shape=True
    # mirrors return_dict keys: unregularized_z, emb, regularized_z, bottleneck_rep,
    # loss_q, loss_commit, loss_codebook, loss_entropy, per_sample_entropy, codebook_entropy
    return (z, emb, quantized_ste, q_indices_out, loss, loss_commit, loss_codebook,
            loss_entropy, sample_entropy, avg_entropy)

if __name__ == "__main__":
    import jax
    _d = setup_inputs()
    print(jax.jit(kernel)(*tuple(_d.values())))

</pallas_src>

<mosaic_0001>
#map = affine_map<(d0, d1) -> (0, 0)>
#map1 = affine_map<(d0, d1) -> (0)>
module attributes {stable_mosaic.version = 14 : i64} {
  func.func @gk(%arg0: i32, %arg1: i32, %arg2: memref<8192x64xf32, #tpu.memory_space<hbm>>, %arg3: memref<4608xi32, #tpu.memory_space<hbm>>, %arg4: memref<4608x64xf32, #tpu.memory_space<hbm>>, %arg5: memref<144xi32, #tpu.memory_space<vmem>>, %arg6: memref<144x64xf32, #tpu.memory_space<vmem>>, %arg7: memref<!tpu.dma_semaphore, #tpu.memory_space<semaphore_mem>>) attributes {dimension_semantics = [#tpu.dimension_semantics<core_parallel>, #tpu.dimension_semantics<subcore_parallel>], iteration_bounds = array<i64: 2, 16>, scalar_prefetch = 0 : i64, scratch_operands = 3 : i64, tpu.core_type = #tpu.core_type<sc_vector_subcore>, window_params = [{transform_indices = #map}, {transform_indices = #map1}, {transform_indices = #map}]} {
    %mul3A = arith.constant 2 : i32
    %mul3A_0 = arith.muli %arg1, %mul3A : i32
    %add3A = arith.addi %mul3A_0, %arg0 : i32
    %mul3A_1 = arith.constant 144 : i32
    %mul3A_2 = arith.muli %add3A, %mul3A_1 : i32
    "tpu.region"() ({
      %run_scoped3A = tpu.sem_alloc : memref<!tpu.dma_semaphore, #tpu.memory_space<semaphore_mem>>
      %dma_start3A_7 = tpu.memref_slice %arg3[%mul3A_2] : memref<4608xi32, #tpu.memory_space<hbm>> -> memref<144xi32, #tpu.memory_space<hbm>>
      %dma_start3A_8 = tpu.memref_slice %arg3[%mul3A_2] : memref<4608xi32, #tpu.memory_space<hbm>> -> memref<144xi32, #tpu.memory_space<hbm>>
      tpu.enqueue_dma source(%dma_start3A_8 : memref<144xi32, #tpu.memory_space<hbm>>) target(%arg5 : memref<144xi32, #tpu.memory_space<vmem>>) target_semaphore(%run_scoped3A : memref<!tpu.dma_semaphore, #tpu.memory_space<semaphore_mem>>)
      %dma_wait3A_9 = tpu.memref_slice %arg3[%mul3A_2] : memref<4608xi32, #tpu.memory_space<hbm>> -> memref<144xi32, #tpu.memory_space<hbm>>
      %dma_wait3A_10 = tpu.memref_slice %arg3[%mul3A_2] : memref<4608xi32, #tpu.memory_space<hbm>> -> memref<144xi32, #tpu.memory_space<hbm>>
      tpu.wait_dma2 semaphore(%run_scoped3A : memref<!tpu.dma_semaphore, #tpu.memory_space<semaphore_mem>>) src(%dma_wait3A_10 : memref<144xi32, #tpu.memory_space<hbm>>) dst(%arg5 : memref<144xi32, #tpu.memory_space<vmem>>)
      tpu.yield
    }) : () -> ()
    %dma_start3A = arith.constant 0 : i32
    %dma_start3A_3 = arith.constant 0 : i32
    %dma_start3A_4 = tpu.memref_slice %arg2[%dma_start3A, %dma_start3A_3] : memref<8192x64xf32, #tpu.memory_space<hbm>> -> memref<8192x64xf32, #tpu.memory_space<hbm>>
    tpu.enqueue_indirect_dma source(%dma_start3A_4 : memref<8192x64xf32, #tpu.memory_space<hbm>>) target(%arg6 : memref<144x64xf32, #tpu.memory_space<vmem>>) offsets(%arg5 : memref<144xi32, #tpu.memory_space<vmem>>) semaphore(%arg7 : memref<!tpu.dma_semaphore, #tpu.memory_space<semaphore_mem>>)
    %dma_wait3A = arith.constant 0 : i32
    %dma_wait3A_5 = arith.constant 0 : i32
    %dma_wait3A_6 = tpu.memref_slice %arg2[%dma_wait3A, %dma_wait3A_5] : memref<8192x64xf32, #tpu.memory_space<hbm>> -> memref<8192x64xf32, #tpu.memory_space<hbm>>
    tpu.wait_indirect_dma semaphore(%arg7 : memref<!tpu.dma_semaphore, #tpu.memory_space<semaphore_mem>>) src(%dma_wait3A_6 : memref<8192x64xf32, #tpu.memory_space<hbm>>) dst(%arg6 : memref<144x64xf32, #tpu.memory_space<vmem>>)
    "tpu.region"() ({
      %run_scoped3A = tpu.sem_alloc : memref<!tpu.dma_semaphore, #tpu.memory_space<semaphore_mem>>
      %dma_start3A_7 = arith.constant 0 : i32
      %dma_start3A_8 = tpu.memref_slice %arg4[%mul3A_2, %dma_start3A_7] : memref<4608x64xf32, #tpu.memory_space<hbm>> -> memref<144x64xf32, #tpu.memory_space<hbm>>
      %dma_start3A_9 = arith.constant 0 : i32
      %dma_start3A_10 = tpu.memref_slice %arg4[%mul3A_2, %dma_start3A_9] : memref<4608x64xf32, #tpu.memory_space<hbm>> -> memref<144x64xf32, #tpu.memory_space<hbm>>
      tpu.enqueue_dma source(%arg6 : memref<144x64xf32, #tpu.memory_space<vmem>>) target(%dma_start3A_10 : memref<144x64xf32, #tpu.memory_space<hbm>>) target_semaphore(%run_scoped3A : memref<!tpu.dma_semaphore, #tpu.memory_space<semaphore_mem>>)
      %dma_wait3A_11 = arith.constant 0 : i32
      %dma_wait3A_12 = tpu.memref_slice %arg4[%mul3A_2, %dma_wait3A_11] : memref<4608x64xf32, #tpu.memory_space<hbm>> -> memref<144x64xf32, #tpu.memory_space<hbm>>
      %dma_wait3A_13 = arith.constant 0 : i32
      %dma_wait3A_14 = tpu.memref_slice %arg4[%mul3A_2, %dma_wait3A_13] : memref<4608x64xf32, #tpu.memory_space<hbm>> -> memref<144x64xf32, #tpu.memory_space<hbm>>
      tpu.wait_dma2 semaphore(%run_scoped3A : memref<!tpu.dma_semaphore, #tpu.memory_space<semaphore_mem>>) src(%arg6 : memref<144x64xf32, #tpu.memory_space<vmem>>) dst(%dma_wait3A_14 : memref<144x64xf32, #tpu.memory_space<hbm>>)
      tpu.yield
    }) : () -> ()
    return
  }
}

module attributes {stable_mosaic.version = 14 : i64} {
  func.func @_vq_tc_body(%arg0: i32, %arg1: memref<512x72xf32, #tpu.memory_space<vmem>>, %arg2: memref<8192x64xf32, #tpu.memory_space<vmem>>, %arg3: memref<1x8192xf32, #tpu.memory_space<vmem>>, %arg4: memref<1x1x512xi32, #tpu.memory_space<vmem>>, %arg5: memref<1x1xf32, #tpu.memory_space<smem>>) attributes {dimension_semantics = [#tpu.dimension_semantics<arbitrary>], iteration_bounds = array<i64: 9>, scalar_prefetch = 0 : i64, scratch_operands = 0 : i64, tpu.core_type = #tpu.core_type<tc>, window_params = [{transform_indices = @transform_0, window_bounds = array<i64: 512, 72>}, {pipeline_mode = #tpu.pipeline_mode<synchronous>, transform_indices = @transform_1, window_bounds = array<i64: 8192, 64>}, {pipeline_mode = #tpu.pipeline_mode<synchronous>, transform_indices = @transform_2, window_bounds = array<i64: 1, 8192>}, {transform_indices = @transform_3, window_bounds = array<i64: 1, 1, 512>}, {transform_indices = @transform_4, window_bounds = array<i64: 1, 1>}]} {
    %get3A = arith.constant 0 : index
    %get3A_0 = arith.constant 0 : index
    %get3A_1 = vector.load %arg1[%get3A, %get3A_0] : memref<512x72xf32, #tpu.memory_space<vmem>>, vector<512x72xf32>
    %slice3A = vector.extract_strided_slice %get3A_1 {offsets = [0, 0], sizes = [512, 64], strides = [1, 1]} : vector<512x72xf32> to vector<512x64xf32>
    %slice3A_2 = vector.extract_strided_slice %get3A_1 {offsets = [0, 64], sizes = [512, 1], strides = [1, 1]} : vector<512x72xf32> to vector<512x1xf32>
    %get3A_3 = arith.constant 0 : index
    %get3A_4 = arith.constant 0 : index
    %get3A_5 = vector.load %arg2[%get3A_3, %get3A_4] : memref<8192x64xf32, #tpu.memory_space<vmem>>, vector<1024x64xf32>
    %dot_general3A = arith.constant dense<0.000000e+00> : vector<512x1024xf32>
    %dot_general3A_6 = tpu.matmul %slice3A, %get3A_5, %dot_general3A {dimension_numbers = #tpu.dot_dimension_numbers<[1], [1], [0], [0], [0, 0, 1, 0], [], []>, transpose_lhs_hint = false} : vector<512x64xf32>, vector<1024x64xf32>, vector<512x1024xf32> -> vector<512x1024xf32>
    %get3A_7 = arith.constant 0 : index
    %get3A_8 = arith.constant 0 : index
    %get3A_9 = vector.load %arg3[%get3A_7, %get3A_8] : memref<1x8192xf32, #tpu.memory_space<vmem>>, vector<1x1024xf32>
    %add3A = vector.broadcast %slice3A_2 : vector<512x1xf32> to vector<512x1024xf32>
    %add3A_10 = vector.broadcast %get3A_9 : vector<1x1024xf32> to vector<512x1024xf32>
    %add3A_11 = arith.addf %add3A, %add3A_10 : vector<512x1024xf32>
    %sub3A = arith.subf %add3A_11, %dot_general3A_6 : vector<512x1024xf32>
    %slice3A_12 = vector.extract_strided_slice %sub3A {offsets = [0, 0], sizes = [512, 128], strides = [1, 1]} : vector<512x1024xf32> to vector<512x128xf32>
    %broadcast_in_dim3A = arith.constant 0 : i32
    %broadcast_in_dim3A_13 = vector.broadcast %broadcast_in_dim3A : i32 to vector<512x128xi32>
    %slice3A_14 = vector.extract_strided_slice %sub3A {offsets = [0, 128], sizes = [512, 128], strides = [1, 1]} : vector<512x1024xf32> to vector<512x128xf32>
    %lt3A = arith.cmpf olt, %slice3A_14, %slice3A_12 : vector<512x128xf32>
    %select_n3A = arith.select %lt3A, %slice3A_14, %slice3A_12 : vector<512x128xi1>, vector<512x128xf32>
    %jit3A = arith.constant 128 : i32
    %broadcast_in_dim3A_15 = vector.broadcast %jit3A : i32 to vector<512x128xi32>
    %select_n3A_16 = arith.select %lt3A, %broadcast_in_dim3A_15, %broadcast_in_dim3A_13 : vector<512x128xi1>, vector<512x128xi32>
    %slice3A_17 = vector.extract_strided_slice %sub3A {offsets = [0, 256], sizes = [512, 128], strides = [1, 1]} : vector<512x1024xf32> to vector<512x128xf32>
    %lt3A_18 = arith.cmpf olt, %slice3A_17, %select_n3A : vector<512x128xf32>
    %select_n3A_19 = arith.select %lt3A_18, %slice3A_17, %select_n3A : vector<512x128xi1>, vector<512x128xf32>
    %jit3A_20 = arith.constant 256 : i32
    %broadcast_in_dim3A_21 = vector.broadcast %jit3A_20 : i32 to vector<512x128xi32>
    %select_n3A_22 = arith.select %lt3A_18, %broadcast_in_dim3A_21, %select_n3A_16 : vector<512x128xi1>, vector<512x128xi32>
    %slice3A_23 = vector.extract_strided_slice %sub3A {offsets = [0, 384], sizes = [512, 128], strides = [1, 1]} : vector<512x1024xf32> to vector<512x128xf32>
    %lt3A_24 = arith.cmpf olt, %slice3A_23, %select_n3A_19 : vector<512x128xf32>
    %select_n3A_25 = arith.select %lt3A_24, %slice3A_23, %select_n3A_19 : vector<512x128xi1>, vector<512x128xf32>
    %jit3A_26 = arith.constant 384 : i32
    %broadcast_in_dim3A_27 = vector.broadcast %jit3A_26 : i32 to vector<512x128xi32>
    %select_n3A_28 = arith.select %lt3A_24, %broadcast_in_dim3A_27, %select_n3A_22 : vector<512x128xi1>, vector<512x128xi32>
    %slice3A_29 = vector.extract_strided_slice %sub3A {offsets = [0, 512], sizes = [512, 128], strides = [1, 1]} : vector<512x1024xf32> to vector<512x128xf32>
    %lt3A_30 = arith.cmpf olt, %slice3A_29, %select_n3A_25 : vector<512x128xf32>
    %select_n3A_31 = arith.select %lt3A_30, %slice3A_29, %select_n3A_25 : vector<512x128xi1>, vector<512x128xf32>
    %jit3A_32 = arith.constant 512 : i32
    %broadcast_in_dim3A_33 = vector.broadcast %jit3A_32 : i32 to vector<512x128xi32>
    %select_n3A_34 = arith.select %lt3A_30, %broadcast_in_dim3A_33, %select_n3A_28 : vector<512x128xi1>, vector<512x128xi32>
    %slice3A_35 = vector.extract_strided_slice %sub3A {offsets = [0, 640], sizes = [512, 128], strides = [1, 1]} : vector<512x1024xf32> to vector<512x128xf32>
    %lt3A_36 = arith.cmpf olt, %slice3A_35, %select_n3A_31 : vector<512x128xf32>
    %select_n3A_37 = arith.select %lt3A_36, %slice3A_35, %select_n3A_31 : vector<512x128xi1>, vector<512x128xf32>
    %jit3A_38 = arith.constant 640 : i32
    %broadcast_in_dim3A_39 = vector.broadcast %jit3A_38 : i32 to vector<512x128xi32>
    %select_n3A_40 = arith.select %lt3A_36, %broadcast_in_dim3A_39, %select_n3A_34 : vector<512x128xi1>, vector<512x128xi32>
    %slice3A_41 = vector.extract_strided_slice %sub3A {offsets = [0, 768], sizes = [512, 128], strides = [1, 1]} : vector<512x1024xf32> to vector<512x128xf32>
    %lt3A_42 = arith.cmpf olt, %slice3A_41, %select_n3A_37 : vector<512x128xf32>
    %select_n3A_43 = arith.select %lt3A_42, %slice3A_41, %select_n3A_37 : vector<512x128xi1>, vector<512x128xf32>
    %jit3A_44 = arith.constant 768 : i32
    %broadcast_in_dim3A_45 = vector.broadcast %jit3A_44 : i32 to vector<512x128xi32>
    %select_n3A_46 = arith.select %lt3A_42, %broadcast_in_dim3A_45, %select_n3A_40 : vector<512x128xi1>, vector<512x128xi32>
    %slice3A_47 = vector.extract_strided_slice %sub3A {offsets = [0, 896], sizes = [512, 128], strides = [1, 1]} : vector<512x1024xf32> to vector<512x128xf32>
    %lt3A_48 = arith.cmpf olt, %slice3A_47, %select_n3A_43 : vector<512x128xf32>
    %select_n3A_49 = arith.select %lt3A_48, %slice3A_47, %select_n3A_43 : vector<512x128xi1>, vector<512x128xf32>
    %jit3A_50 = arith.constant 896 : i32
    %broadcast_in_dim3A_51 = vector.broadcast %jit3A_50 : i32 to vector<512x128xi32>
    %select_n3A_52 = arith.select %lt3A_48, %broadcast_in_dim3A_51, %select_n3A_46 : vector<512x128xi1>, vector<512x128xi32>
    %get3A_53 = arith.constant 1024 : index
    %get3A_54 = arith.constant 0 : index
    %get3A_55 = vector.load %arg2[%get3A_53, %get3A_54] : memref<8192x64xf32, #tpu.memory_space<vmem>>, vector<1024x64xf32>
    %dot_general3A_56 = arith.constant dense<0.000000e+00> : vector<512x1024xf32>
    %dot_general3A_57 = tpu.matmul %slice3A, %get3A_55, %dot_general3A_56 {dimension_numbers = #tpu.dot_dimension_numbers<[1], [1], [0], [0], [0, 0, 1, 0], [], []>, transpose_lhs_hint = false} : vector<512x64xf32>, vector<1024x64xf32>, vector<512x1024xf32> -> vector<512x1024xf32>
    %get3A_58 = arith.constant 0 : index
    %get3A_59 = arith.constant 1024 : index
    %get3A_60 = vector.load %arg3[%get3A_58, %get3A_59] : memref<1x8192xf32, #tpu.memory_space<vmem>>, vector<1x1024xf32>
    %add3A_61 = vector.broadcast %slice3A_2 : vector<512x1xf32> to vector<512x1024xf32>
    %add3A_62 = vector.broadcast %get3A_60 : vector<1x1024xf32> to vector<512x1024xf32>
    %add3A_63 = arith.addf %add3A_61, %add3A_62 : vector<512x1024xf32>
    %sub3A_64 = arith.subf %add3A_63, %dot_general3A_57 : vector<512x1024xf32>
    %slice3A_65 = vector.extract_strided_slice %sub3A_64 {offsets = [0, 0], sizes = [512, 128], strides = [1, 1]} : vector<512x1024xf32> to vector<512x128xf32>
    %lt3A_66 = arith.cmpf olt, %slice3A_65, %select_n3A_49 : vector<512x128xf32>
    %select_n3A_67 = arith.select %lt3A_66, %slice3A_65, %select_n3A_49 : vector<512x128xi1>, vector<512x128xf32>
    %jit3A_68 = arith.constant 1024 : i32
    %broadcast_in_dim3A_69 = vector.broadcast %jit3A_68 : i32 to vector<512x128xi32>
    %select_n3A_70 = arith.select %lt3A_66, %broadcast_in_dim3A_69, %select_n3A_52 : vector<512x128xi1>, vector<512x128xi32>
    %slice3A_71 = vector.extract_strided_slice %sub3A_64 {offsets = [0, 128], sizes = [512, 128], strides = [1, 1]} : vector<512x1024xf32> to vector<512x128xf32>
    %lt3A_72 = arith.cmpf olt, %slice3A_71, %select_n3A_67 : vector<512x128xf32>
    %select_n3A_73 = arith.select %lt3A_72, %slice3A_71, %select_n3A_67 : vector<512x128xi1>, vector<512x128xf32>
    %jit3A_74 = arith.constant 1152 : i32
    %broadcast_in_dim3A_75 = vector.broadcast %jit3A_74 : i32 to vector<512x128xi32>
    %select_n3A_76 = arith.select %lt3A_72, %broadcast_in_dim3A_75, %select_n3A_70 : vector<512x128xi1>, vector<512x128xi32>
    %slice3A_77 = vector.extract_strided_slice %sub3A_64 {offsets = [0, 256], sizes = [512, 128], strides = [1, 1]} : vector<512x1024xf32> to vector<512x128xf32>
    %lt3A_78 = arith.cmpf olt, %slice3A_77, %select_n3A_73 : vector<512x128xf32>
    %select_n3A_79 = arith.select %lt3A_78, %slice3A_77, %select_n3A_73 : vector<512x128xi1>, vector<512x128xf32>
    %jit3A_80 = arith.constant 1280 : i32
    %broadcast_in_dim3A_81 = vector.broadcast %jit3A_80 : i32 to vector<512x128xi32>
    %select_n3A_82 = arith.select %lt3A_78, %broadcast_in_dim3A_81, %select_n3A_76 : vector<512x128xi1>, vector<512x128xi32>
    %slice3A_83 = vector.extract_strided_slice %sub3A_64 {offsets = [0, 384], sizes = [512, 128], strides = [1, 1]} : vector<512x1024xf32> to vector<512x128xf32>
    %lt3A_84 = arith.cmpf olt, %slice3A_83, %select_n3A_79 : vector<512x128xf32>
    %select_n3A_85 = arith.select %lt3A_84, %slice3A_83, %select_n3A_79 : vector<512x128xi1>, vector<512x128xf32>
    %jit3A_86 = arith.constant 1408 : i32
    %broadcast_in_dim3A_87 = vector.broadcast %jit3A_86 : i32 to vector<512x128xi32>
    %select_n3A_88 = arith.select %lt3A_84, %broadcast_in_dim3A_87, %select_n3A_82 : vector<512x128xi1>, vector<512x128xi32>
    %slice3A_89 = vector.extract_strided_slice %sub3A_64 {offsets = [0, 512], sizes = [512, 128], strides = [1, 1]} : vector<512x1024xf32> to vector<512x128xf32>
    %lt3A_90 = arith.cmpf olt, %slice3A_89, %select_n3A_85 : vector<512x128xf32>
    %select_n3A_91 = arith.select %lt3A_90, %slice3A_89, %select_n3A_85 : vector<512x128xi1>, vector<512x128xf32>
    %jit3A_92 = arith.constant 1536 : i32
    %broadcast_in_dim3A_93 = vector.broadcast %jit3A_92 : i32 to vector<512x128xi32>
    %select_n3A_94 = arith.select %lt3A_90, %broadcast_in_dim3A_93, %select_n3A_88 : vector<512x128xi1>, vector<512x128xi32>
    %slice3A_95 = vector.extract_strided_slice %sub3A_64 {offsets = [0, 640], sizes = [512, 128], strides = [1, 1]} : vector<512x1024xf32> to vector<512x128xf32>
    %lt3A_96 = arith.cmpf olt, %slice3A_95, %select_n3A_91 : vector<512x128xf32>
    %select_n3A_97 = arith.select %lt3A_96, %slice3A_95, %select_n3A_91 : vector<512x128xi1>, vector<512x128xf32>
    %jit3A_98 = arith.constant 1664 : i32
    %broadcast_in_dim3A_99 = vector.broadcast %jit3A_98 : i32 to vector<512x128xi32>
    %select_n3A_100 = arith.select %lt3A_96, %broadcast_in_dim3A_99, %select_n3A_94 : vector<512x128xi1>, vector<512x128xi32>
    %slice3A_101 = vector.extract_strided_slice %sub3A_64 {offsets = [0, 768], sizes = [512, 128], strides = [1, 1]} : vector<512x1024xf32> to vector<512x128xf32>
    %lt3A_102 = arith.cmpf olt, %slice3A_101, %select_n3A_97 : vector<512x128xf32>
    %select_n3A_103 = arith.select %lt3A_102, %slice3A_101, %select_n3A_97 : vector<512x128xi1>, vector<512x128xf32>
    %jit3A_104 = arith.constant 1792 : i32
    %broadcast_in_dim3A_105 = vector.broadcast %jit3A_104 : i32 to vector<512x128xi32>
    %select_n3A_106 = arith.select %lt3A_102, %broadcast_in_dim3A_105, %select_n3A_100 : vector<512x128xi1>, vector<512x128xi32>
    %slice3A_107 = vector.extract_strided_slice %sub3A_64 {offsets = [0, 896], sizes = [512, 128], strides = [1, 1]} : vector<512x1024xf32> to vector<512x128xf32>
    %lt3A_108 = arith.cmpf olt, %slice3A_107, %select_n3A_103 : vector<512x128xf32>
    %select_n3A_109 = arith.select %lt3A_108, %slice3A_107, %select_n3A_103 : vector<512x128xi1>, vector<512x128xf32>
    %jit3A_110 = arith.constant 1920 : i32
    %broadcast_in_dim3A_111 = vector.broadcast %jit3A_110 : i32 to vector<512x128xi32>
    %select_n3A_112 = arith.select %lt3A_108, %broadcast_in_dim3A_111, %select_n3A_106 : vector<512x128xi1>, vector<512x128xi32>
    %get3A_113 = arith.constant 2048 : index
    %get3A_114 = arith.constant 0 : index
    %get3A_115 = vector.load %arg2[%get3A_113, %get3A_114] : memref<8192x64xf32, #tpu.memory_space<vmem>>, vector<1024x64xf32>
    %dot_general3A_116 = arith.constant dense<0.000000e+00> : vector<512x1024xf32>
    %dot_general3A_117 = tpu.matmul %slice3A, %get3A_115, %dot_general3A_116 {dimension_numbers = #tpu.dot_dimension_numbers<[1], [1], [0], [0], [0, 0, 1, 0], [], []>, transpose_lhs_hint = false} : vector<512x64xf32>, vector<1024x64xf32>, vector<512x1024xf32> -> vector<512x1024xf32>
    %get3A_118 = arith.constant 0 : index
    %get3A_119 = arith.constant 2048 : index
    %get3A_120 = vector.load %arg3[%get3A_118, %get3A_119] : memref<1x8192xf32, #tpu.memory_space<vmem>>, vector<1x1024xf32>
    %add3A_121 = vector.broadcast %slice3A_2 : vector<512x1xf32> to vector<512x1024xf32>
    %add3A_122 = vector.broadcast %get3A_120 : vector<1x1024xf32> to vector<512x1024xf32>
    %add3A_123 = arith.addf %add3A_121, %add3A_122 : vector<512x1024xf32>
    %sub3A_124 = arith.subf %add3A_123, %dot_general3A_117 : vector<512x1024xf32>
    %slice3A_125 = vector.extract_strided_slice %sub3A_124 {offsets = [0, 0], sizes = [512, 128], strides = [1, 1]} : vector<512x1024xf32> to vector<512x128xf32>
    %lt3A_126 = arith.cmpf olt, %slice3A_125, %select_n3A_109 : vector<512x128xf32>
    %select_n3A_127 = arith.select %lt3A_126, %slice3A_125, %select_n3A_109 : vector<512x128xi1>, vector<512x128xf32>
    %jit3A_128 = arith.constant 2048 : i32
    %broadcast_in_dim3A_129 = vector.broadcast %jit3A_128 : i32 to vector<512x128xi32>
    %select_n3A_130 = arith.select %lt3A_126, %broadcast_in_dim3A_129, %select_n3A_112 : vector<512x128xi1>, vector<512x128xi32>
    %slice3A_131 = vector.extract_strided_slice %sub3A_124 {offsets = [0, 128], sizes = [512, 128], strides = [1, 1]} : vector<512x1024xf32> to vector<512x128xf32>
    %lt3A_132 = arith.cmpf olt, %slice3A_131, %select_n3A_127 : vector<512x128xf32>
    %select_n3A_133 = arith.select %lt3A_132, %slice3A_131, %select_n3A_127 : vector<512x128xi1>, vector<512x128xf32>
    %jit3A_134 = arith.constant 2176 : i32
    %broadcast_in_dim3A_135 = vector.broadcast %jit3A_134 : i32 to vector<512x128xi32>
    %select_n3A_136 = arith.select %lt3A_132, %broadcast_in_dim3A_135, %select_n3A_130 : vector<512x128xi1>, vector<512x128xi32>
    %slice3A_137 = vector.extract_strided_slice %sub3A_124 {offsets = [0, 256], sizes = [512, 128], strides = [1, 1]} : vector<512x1024xf32> to vector<512x128xf32>
    %lt3A_138 = arith.cmpf olt, %slice3A_137, %select_n3A_133 : vector<512x128xf32>
    %select_n3A_139 = arith.select %lt3A_138, %slice3A_137, %select_n3A_133 : vector<512x128xi1>, vector<512x128xf32>
    %jit3A_140 = arith.constant 2304 : i32
    %broadcast_in_dim3A_141 = vector.broadcast %jit3A_140 : i32 to vector<512x128xi32>
    %select_n3A_142 = arith.select %lt3A_138, %broadcast_in_dim3A_141, %select_n3A_136 : vector<512x128xi1>, vector<512x128xi32>
    %slice3A_143 = vector.extract_strided_slice %sub3A_124 {offsets = [0, 384], sizes = [512, 128], strides = [1, 1]} : vector<512x1024xf32> to vector<512x128xf32>
    %lt3A_144 = arith.cmpf olt, %slice3A_143, %select_n3A_139 : vector<512x128xf32>
    %select_n3A_145 = arith.select %lt3A_144, %slice3A_143, %select_n3A_139 : vector<512x128xi1>, vector<512x128xf32>
    %jit3A_146 = arith.constant 2432 : i32
    %broadcast_in_dim3A_147 = vector.broadcast %jit3A_146 : i32 to vector<512x128xi32>
    %select_n3A_148 = arith.select %lt3A_144, %broadcast_in_dim3A_147, %select_n3A_142 : vector<512x128xi1>, vector<512x128xi32>
    %slice3A_149 = vector.extract_strided_slice %sub3A_124 {offsets = [0, 512], sizes = [512, 128], strides = [1, 1]} : vector<512x1024xf32> to vector<512x128xf32>
    %lt3A_150 = arith.cmpf olt, %slice3A_149, %select_n3A_145 : vector<512x128xf32>
    %select_n3A_151 = arith.select %lt3A_150, %slice3A_149, %select_n3A_145 : vector<512x128xi1>, vector<512x128xf32>
    %jit3A_152 = arith.constant 2560 : i32
    %broadcast_in_dim3A_153 = vector.broadcast %jit3A_152 : i32 to vector<512x128xi32>
    %select_n3A_154 = arith.select %lt3A_150, %broadcast_in_dim3A_153, %select_n3A_148 : vector<512x128xi1>, vector<512x128xi32>
    %slice3A_155 = vector.extract_strided_slice %sub3A_124 {offsets = [0, 640], sizes = [512, 128], strides = [1, 1]} : vector<512x1024xf32> to vector<512x128xf32>
    %lt3A_156 = arith.cmpf olt, %slice3A_155, %select_n3A_151 : vector<512x128xf32>
    %select_n3A_157 = arith.select %lt3A_156, %slice3A_155, %select_n3A_151 : vector<512x128xi1>, vector<512x128xf32>
    %jit3A_158 = arith.constant 2688 : i32
    %broadcast_in_dim3A_159 = vector.broadcast %jit3A_158 : i32 to vector<512x128xi32>
    %select_n3A_160 = arith.select %lt3A_156, %broadcast_in_dim3A_159, %select_n3A_154 : vector<512x128xi1>, vector<512x128xi32>
    %slice3A_161 = vector.extract_strided_slice %sub3A_124 {offsets = [0, 768], sizes = [512, 128], strides = [1, 1]} : vector<512x1024xf32> to vector<512x128xf32>
    %lt3A_162 = arith.cmpf olt, %slice3A_161, %select_n3A_157 : vector<512x128xf32>
    %select_n3A_163 = arith.select %lt3A_162, %slice3A_161, %select_n3A_157 : vector<512x128xi1>, vector<512x128xf32>
    %jit3A_164 = arith.constant 2816 : i32
    %broadcast_in_dim3A_165 = vector.broadcast %jit3A_164 : i32 to vector<512x128xi32>
    %select_n3A_166 = arith.select %lt3A_162, %broadcast_in_dim3A_165, %select_n3A_160 : vector<512x128xi1>, vector<512x128xi32>
    %slice3A_167 = vector.extract_strided_slice %sub3A_124 {offsets = [0, 896], sizes = [512, 128], strides = [1, 1]} : vector<512x1024xf32> to vector<512x128xf32>
    %lt3A_168 = arith.cmpf olt, %slice3A_167, %select_n3A_163 : vector<512x128xf32>
    %select_n3A_169 = arith.select %lt3A_168, %slice3A_167, %select_n3A_163 : vector<512x128xi1>, vector<512x128xf32>
    %jit3A_170 = arith.constant 2944 : i32
    %broadcast_in_dim3A_171 = vector.broadcast %jit3A_170 : i32 to vector<512x128xi32>
    %select_n3A_172 = arith.select %lt3A_168, %broadcast_in_dim3A_171, %select_n3A_166 : vector<512x128xi1>, vector<512x128xi32>
    %get3A_173 = arith.constant 3072 : index
    %get3A_174 = arith.constant 0 : index
    %get3A_175 = vector.load %arg2[%get3A_173, %get3A_174] : memref<8192x64xf32, #tpu.memory_space<vmem>>, vector<1024x64xf32>
    %dot_general3A_176 = arith.constant dense<0.000000e+00> : vector<512x1024xf32>
    %dot_general3A_177 = tpu.matmul %slice3A, %get3A_175, %dot_general3A_176 {dimension_numbers = #tpu.dot_dimension_numbers<[1], [1], [0], [0], [0, 0, 1, 0], [], []>, transpose_lhs_hint = false} : vector<512x64xf32>, vector<1024x64xf32>, vector<512x1024xf32> -> vector<512x1024xf32>
    %get3A_178 = arith.constant 0 : index
    %get3A_179 = arith.constant 3072 : index
    %get3A_180 = vector.load %arg3[%get3A_178, %get3A_179] : memref<1x8192xf32, #tpu.memory_space<vmem>>, vector<1x1024xf32>
    %add3A_181 = vector.broadcast %slice3A_2 : vector<512x1xf32> to vector<512x1024xf32>
    %add3A_182 = vector.broadcast %get3A_180 : vector<1x1024xf32> to vector<512x1024xf32>
    %add3A_183 = arith.addf %add3A_181, %add3A_182 : vector<512x1024xf32>
    %sub3A_184 = arith.subf %add3A_183, %dot_general3A_177 : vector<512x1024xf32>
    %slice3A_185 = vector.extract_strided_slice %sub3A_184 {offsets = [0, 0], sizes = [512, 128], strides = [1, 1]} : vector<512x1024xf32> to vector<512x128xf32>
    %lt3A_186 = arith.cmpf olt, %slice3A_185, %select_n3A_169 : vector<512x128xf32>
    %select_n3A_187 = arith.select %lt3A_186, %slice3A_185, %select_n3A_169 : vector<512x128xi1>, vector<512x128xf32>
    %jit3A_188 = arith.constant 3072 : i32
    %broadcast_in_dim3A_189 = vector.broadcast %jit3A_188 : i32 to vector<512x128xi32>
    %select_n3A_190 = arith.select %lt3A_186, %broadcast_in_dim3A_189, %select_n3A_172 : vector<512x128xi1>, vector<512x128xi32>
    %slice3A_191 = vector.extract_strided_slice %sub3A_184 {offsets = [0, 128], sizes = [512, 128], strides = [1, 1]} : vector<512x1024xf32> to vector<512x128xf32>
    %lt3A_192 = arith.cmpf olt, %slice3A_191, %select_n3A_187 : vector<512x128xf32>
    %select_n3A_193 = arith.select %lt3A_192, %slice3A_191, %select_n3A_187 : vector<512x128xi1>, vector<512x128xf32>
    %jit3A_194 = arith.constant 3200 : i32
    %broadcast_in_dim3A_195 = vector.broadcast %jit3A_194 : i32 to vector<512x128xi32>
    %select_n3A_196 = arith.select %lt3A_192, %broadcast_in_dim3A_195, %select_n3A_190 : vector<512x128xi1>, vector<512x128xi32>
    %slice3A_197 = vector.extract_strided_slice %sub3A_184 {offsets = [0, 256], sizes = [512, 128], strides = [1, 1]} : vector<512x1024xf32> to vector<512x128xf32>
    %lt3A_198 = arith.cmpf olt, %slice3A_197, %select_n3A_193 : vector<512x128xf32>
    %select_n3A_199 = arith.select %lt3A_198, %slice3A_197, %select_n3A_193 : vector<512x128xi1>, vector<512x128xf32>
    %jit3A_200 = arith.constant 3328 : i32
    %broadcast_in_dim3A_201 = vector.broadcast %jit3A_200 : i32 to vector<512x128xi32>
    %select_n3A_202 = arith.select %lt3A_198, %broadcast_in_dim3A_201, %select_n3A_196 : vector<512x128xi1>, vector<512x128xi32>
    %slice3A_203 = vector.extract_strided_slice %sub3A_184 {offsets = [0, 384], sizes = [512, 128], strides = [1, 1]} : vector<512x1024xf32> to vector<512x128xf32>
    %lt3A_204 = arith.cmpf olt, %slice3A_203, %select_n3A_199 : vector<512x128xf32>
    %select_n3A_205 = arith.select %lt3A_204, %slice3A_203, %select_n3A_199 : vector<512x128xi1>, vector<512x128xf32>
    %jit3A_206 = arith.constant 3456 : i32
    %broadcast_in_dim3A_207 = vector.broadcast %jit3A_206 : i32 to vector<512x128xi32>
    %select_n3A_208 = arith.select %lt3A_204, %broadcast_in_dim3A_207, %select_n3A_202 : vector<512x128xi1>, vector<512x128xi32>
    %slice3A_209 = vector.extract_strided_slice %sub3A_184 {offsets = [0, 512], sizes = [512, 128], strides = [1, 1]} : vector<512x1024xf32> to vector<512x128xf32>
    %lt3A_210 = arith.cmpf olt, %slice3A_209, %select_n3A_205 : vector<512x128xf32>
    %select_n3A_211 = arith.select %lt3A_210, %slice3A_209, %select_n3A_205 : vector<512x128xi1>, vector<512x128xf32>
    %jit3A_212 = arith.constant 3584 : i32
    %broadcast_in_dim3A_213 = vector.broadcast %jit3A_212 : i32 to vector<512x128xi32>
    %select_n3A_214 = arith.select %lt3A_210, %broadcast_in_dim3A_213, %select_n3A_208 : vector<512x128xi1>, vector<512x128xi32>
    %slice3A_215 = vector.extract_strided_slice %sub3A_184 {offsets = [0, 640], sizes = [512, 128], strides = [1, 1]} : vector<512x1024xf32> to vector<512x128xf32>
    %lt3A_216 = arith.cmpf olt, %slice3A_215, %select_n3A_211 : vector<512x128xf32>
    %select_n3A_217 = arith.select %lt3A_216, %slice3A_215, %select_n3A_211 : vector<512x128xi1>, vector<512x128xf32>
    %jit3A_218 = arith.constant 3712 : i32
    %broadcast_in_dim3A_219 = vector.broadcast %jit3A_218 : i32 to vector<512x128xi32>
    %select_n3A_220 = arith.select %lt3A_216, %broadcast_in_dim3A_219, %select_n3A_214 : vector<512x128xi1>, vector<512x128xi32>
    %slice3A_221 = vector.extract_strided_slice %sub3A_184 {offsets = [0, 768], sizes = [512, 128], strides = [1, 1]} : vector<512x1024xf32> to vector<512x128xf32>
    %lt3A_222 = arith.cmpf olt, %slice3A_221, %select_n3A_217 : vector<512x128xf32>
    %select_n3A_223 = arith.select %lt3A_222, %slice3A_221, %select_n3A_217 : vector<512x128xi1>, vector<512x128xf32>
    %jit3A_224 = arith.constant 3840 : i32
    %broadcast_in_dim3A_225 = vector.broadcast %jit3A_224 : i32 to vector<512x128xi32>
    %select_n3A_226 = arith.select %lt3A_222, %broadcast_in_dim3A_225, %select_n3A_220 : vector<512x128xi1>, vector<512x128xi32>
    %slice3A_227 = vector.extract_strided_slice %sub3A_184 {offsets = [0, 896], sizes = [512, 128], strides = [1, 1]} : vector<512x1024xf32> to vector<512x128xf32>
    %lt3A_228 = arith.cmpf olt, %slice3A_227, %select_n3A_223 : vector<512x128xf32>
    %select_n3A_229 = arith.select %lt3A_228, %slice3A_227, %select_n3A_223 : vector<512x128xi1>, vector<512x128xf32>
    %jit3A_230 = arith.constant 3968 : i32
    %broadcast_in_dim3A_231 = vector.broadcast %jit3A_230 : i32 to vector<512x128xi32>
    %select_n3A_232 = arith.select %lt3A_228, %broadcast_in_dim3A_231, %select_n3A_226 : vector<512x128xi1>, vector<512x128xi32>
    %get3A_233 = arith.constant 4096 : index
    %get3A_234 = arith.constant 0 : index
    %get3A_235 = vector.load %arg2[%get3A_233, %get3A_234] : memref<8192x64xf32, #tpu.memory_space<vmem>>, vector<1024x64xf32>
    %dot_general3A_236 = arith.constant dense<0.000000e+00> : vector<512x1024xf32>
    %dot_general3A_237 = tpu.matmul %slice3A, %get3A_235, %dot_general3A_236 {dimension_numbers = #tpu.dot_dimension_numbers<[1], [1], [0], [0], [0, 0, 1, 0], [], []>, transpose_lhs_hint = false} : vector<512x64xf32>, vector<1024x64xf32>, vector<512x1024xf32> -> vector<512x1024xf32>
    %get3A_238 = arith.constant 0 : index
    %get3A_239 = arith.constant 4096 : index
    %get3A_240 = vector.load %arg3[%get3A_238, %get3A_239] : memref<1x8192xf32, #tpu.memory_space<vmem>>, vector<1x1024xf32>
    %add3A_241 = vector.broadcast %slice3A_2 : vector<512x1xf32> to vector<512x1024xf32>
    %add3A_242 = vector.broadcast %get3A_240 : vector<1x1024xf32> to vector<512x1024xf32>
    %add3A_243 = arith.addf %add3A_241, %add3A_242 : vector<512x1024xf32>
    %sub3A_244 = arith.subf %add3A_243, %dot_general3A_237 : vector<512x1024xf32>
    %slice3A_245 = vector.extract_strided_slice %sub3A_244 {offsets = [0, 0], sizes = [512, 128], strides = [1, 1]} : vector<512x1024xf32> to vector<512x128xf32>
    %lt3A_246 = arith.cmpf olt, %slice3A_245, %select_n3A_229 : vector<512x128xf32>
    %select_n3A_247 = arith.select %lt3A_246, %slice3A_245, %select_n3A_229 : vector<512x128xi1>, vector<512x128xf32>
    %jit3A_248 = arith.constant 4096 : i32
    %broadcast_in_dim3A_249 = vector.broadcast %jit3A_248 : i32 to vector<512x128xi32>
    %select_n3A_250 = arith.select %lt3A_246, %broadcast_in_dim3A_249, %select_n3A_232 : vector<512x128xi1>, vector<512x128xi32>
    %slice3A_251 = vector.extract_strided_slice %sub3A_244 {offsets = [0, 128], sizes = [512, 128], strides = [1, 1]} : vector<512x1024xf32> to vector<512x128xf32>
    %lt3A_252 = arith.cmpf olt, %slice3A_251, %select_n3A_247 : vector<512x128xf32>
    %select_n3A_253 = arith.select %lt3A_252, %slice3A_251, %select_n3A_247 : vector<512x128xi1>, vector<512x128xf32>
    %jit3A_254 = arith.constant 4224 : i32
    %broadcast_in_dim3A_255 = vector.broadcast %jit3A_254 : i32 to vector<512x128xi32>
    %select_n3A_256 = arith.select %lt3A_252, %broadcast_in_dim3A_255, %select_n3A_250 : vector<512x128xi1>, vector<512x128xi32>
    %slice3A_257 = vector.extract_strided_slice %sub3A_244 {offsets = [0, 256], sizes = [512, 128], strides = [1, 1]} : vector<512x1024xf32> to vector<512x128xf32>
    %lt3A_258 = arith.cmpf olt, %slice3A_257, %select_n3A_253 : vector<512x128xf32>
    %select_n3A_259 = arith.select %lt3A_258, %slice3A_257, %select_n3A_253 : vector<512x128xi1>, vector<512x128xf32>
    %jit3A_260 = arith.constant 4352 : i32
    %broadcast_in_dim3A_261 = vector.broadcast %jit3A_260 : i32 to vector<512x128xi32>
    %select_n3A_262 = arith.select %lt3A_258, %broadcast_in_dim3A_261, %select_n3A_256 : vector<512x128xi1>, vector<512x128xi32>
    %slice3A_263 = vector.extract_strided_slice %sub3A_244 {offsets = [0, 384], sizes = [512, 128], strides = [1, 1]} : vector<512x1024xf32> to vector<512x128xf32>
    %lt3A_264 = arith.cmpf olt, %slice3A_263, %select_n3A_259 : vector<512x128xf32>
    %select_n3A_265 = arith.select %lt3A_264, %slice3A_263, %select_n3A_259 : vector<512x128xi1>, vector<512x128xf32>
    %jit3A_266 = arith.constant 4480 : i32
    %broadcast_in_dim3A_267 = vector.broadcast %jit3A_266 : i32 to vector<512x128xi32>
    %select_n3A_268 = arith.select %lt3A_264, %broadcast_in_dim3A_267, %select_n3A_262 : vector<512x128xi1>, vector<512x128xi32>
    %slice3A_269 = vector.extract_strided_slice %sub3A_244 {offsets = [0, 512], sizes = [512, 128], strides = [1, 1]} : vector<512x1024xf32> to vector<512x128xf32>
    %lt3A_270 = arith.cmpf olt, %slice3A_269, %select_n3A_265 : vector<512x128xf32>
    %select_n3A_271 = arith.select %lt3A_270, %slice3A_269, %select_n3A_265 : vector<512x128xi1>, vector<512x128xf32>
    %jit3A_272 = arith.constant 4608 : i32
    %broadcast_in_dim3A_273 = vector.broadcast %jit3A_272 : i32 to vector<512x128xi32>
    %select_n3A_274 = arith.select %lt3A_270, %broadcast_in_dim3A_273, %select_n3A_268 : vector<512x128xi1>, vector<512x128xi32>
    %slice3A_275 = vector.extract_strided_slice %sub3A_244 {offsets = [0, 640], sizes = [512, 128], strides = [1, 1]} : vector<512x1024xf32> to vector<512x128xf32>
    %lt3A_276 = arith.cmpf olt, %slice3A_275, %select_n3A_271 : vector<512x128xf32>
    %select_n3A_277 = arith.select %lt3A_276, %slice3A_275, %select_n3A_271 : vector<512x128xi1>, vector<512x128xf32>
    %jit3A_278 = arith.constant 4736 : i32
    %broadcast_in_dim3A_279 = vector.broadcast %jit3A_278 : i32 to vector<512x128xi32>
    %select_n3A_280 = arith.select %lt3A_276, %broadcast_in_dim3A_279, %select_n3A_274 : vector<512x128xi1>, vector<512x128xi32>
    %slice3A_281 = vector.extract_strided_slice %sub3A_244 {offsets = [0, 768], sizes = [512, 128], strides = [1, 1]} : vector<512x1024xf32> to vector<512x128xf32>
    %lt3A_282 = arith.cmpf olt, %slice3A_281, %select_n3A_277 : vector<512x128xf32>
    %select_n3A_283 = arith.select %lt3A_282, %slice3A_281, %select_n3A_277 : vector<512x128xi1>, vector<512x128xf32>
    %jit3A_284 = arith.constant 4864 : i32
    %broadcast_in_dim3A_285 = vector.broadcast %jit3A_284 : i32 to vector<512x128xi32>
    %select_n3A_286 = arith.select %lt3A_282, %broadcast_in_dim3A_285, %select_n3A_280 : vector<512x128xi1>, vector<512x128xi32>
    %slice3A_287 = vector.extract_strided_slice %sub3A_244 {offsets = [0, 896], sizes = [512, 128], strides = [1, 1]} : vector<512x1024xf32> to vector<512x128xf32>
    %lt3A_288 = arith.cmpf olt, %slice3A_287, %select_n3A_283 : vector<512x128xf32>
    %select_n3A_289 = arith.select %lt3A_288, %slice3A_287, %select_n3A_283 : vector<512x128xi1>, vector<512x128xf32>
    %jit3A_290 = arith.constant 4992 : i32
    %broadcast_in_dim3A_291 = vector.broadcast %jit3A_290 : i32 to vector<512x128xi32>
    %select_n3A_292 = arith.select %lt3A_288, %broadcast_in_dim3A_291, %select_n3A_286 : vector<512x128xi1>, vector<512x128xi32>
    %get3A_293 = arith.constant 5120 : index
    %get3A_294 = arith.constant 0 : index
    %get3A_295 = vector.load %arg2[%get3A_293, %get3A_294] : memref<8192x64xf32, #tpu.memory_space<vmem>>, vector<1024x64xf32>
    %dot_general3A_296 = arith.constant dense<0.000000e+00> : vector<512x1024xf32>
    %dot_general3A_297 = tpu.matmul %slice3A, %get3A_295, %dot_general3A_296 {dimension_numbers = #tpu.dot_dimension_numbers<[1], [1], [0], [0], [0, 0, 1, 0], [], []>, transpose_lhs_hint = false} : vector<512x64xf32>, vector<1024x64xf32>, vector<512x1024xf32> -> vector<512x1024xf32>
    %get3A_298 = arith.constant 0 : index
    %get3A_299 = arith.constant 5120 : index
    %get3A_300 = vector.load %arg3[%get3A_298, %get3A_299] : memref<1x8192xf32, #tpu.memory_space<vmem>>, vector<1x1024xf32>
    %add3A_301 = vector.broadcast %slice3A_2 : vector<512x1xf32> to vector<512x1024xf32>
    %add3A_302 = vector.broadcast %get3A_300 : vector<1x1024xf32> to vector<512x1024xf32>
    %add3A_303 = arith.addf %add3A_301, %add3A_302 : vector<512x1024xf32>
    %sub3A_304 = arith.subf %add3A_303, %dot_general3A_297 : vector<512x1024xf32>
    %slice3A_305 = vector.extract_strided_slice %sub3A_304 {offsets = [0, 0], sizes = [512, 128], strides = [1, 1]} : vector<512x1024xf32> to vector<512x128xf32>
    %lt3A_306 = arith.cmpf olt, %slice3A_305, %select_n3A_289 : vector<512x128xf32>
    %select_n3A_307 = arith.select %lt3A_306, %slice3A_305, %select_n3A_289 : vector<512x128xi1>, vector<512x128xf32>
    %jit3A_308 = arith.constant 5120 : i32
    %broadcast_in_dim3A_309 = vector.broadcast %jit3A_308 : i32 to vector<512x128xi32>
    %select_n3A_310 = arith.select %lt3A_306, %broadcast_in_dim3A_309, %select_n3A_292 : vector<512x128xi1>, vector<512x128xi32>
    %slice3A_311 = vector.extract_strided_slice %sub3A_304 {offsets = [0, 128], sizes = [512, 128], strides = [1, 1]} : vector<512x1024xf32> to vector<512x128xf32>
    %lt3A_312 = arith.cmpf olt, %slice3A_311, %select_n3A_307 : vector<512x128xf32>
    %select_n3A_313 = arith.select %lt3A_312, %slice3A_311, %select_n3A_307 : vector<512x128xi1>, vector<512x128xf32>
    %jit3A_314 = arith.constant 5248 : i32
    %broadcast_in_dim3A_315 = vector.broadcast %jit3A_314 : i32 to vector<512x128xi32>
    %select_n3A_316 = arith.select %lt3A_312, %broadcast_in_dim3A_315, %select_n3A_310 : vector<512x128xi1>, vector<512x128xi32>
    %slice3A_317 = vector.extract_strided_slice %sub3A_304 {offsets = [0, 256], sizes = [512, 128], strides = [1, 1]} : vector<512x1024xf32> to vector<512x128xf32>
    %lt3A_318 = arith.cmpf olt, %slice3A_317, %select_n3A_313 : vector<512x128xf32>
    %select_n3A_319 = arith.select %lt3A_318, %slice3A_317, %select_n3A_313 : vector<512x128xi1>, vector<512x128xf32>
    %jit3A_320 = arith.constant 5376 : i32
    %broadcast_in_dim3A_321 = vector.broadcast %jit3A_320 : i32 to vector<512x128xi32>
    %select_n3A_322 = arith.select %lt3A_318, %broadcast_in_dim3A_321, %select_n3A_316 : vector<512x128xi1>, vector<512x128xi32>
    %slice3A_323 = vector.extract_strided_slice %sub3A_304 {offsets = [0, 384], sizes = [512, 128], strides = [1, 1]} : vector<512x1024xf32> to vector<512x128xf32>
    %lt3A_324 = arith.cmpf olt, %slice3A_323, %select_n3A_319 : vector<512x128xf32>
    %select_n3A_325 = arith.select %lt3A_324, %slice3A_323, %select_n3A_319 : vector<512x128xi1>, vector<512x128xf32>
    %jit3A_326 = arith.constant 5504 : i32
    %broadcast_in_dim3A_327 = vector.broadcast %jit3A_326 : i32 to vector<512x128xi32>
    %select_n3A_328 = arith.select %lt3A_324, %broadcast_in_dim3A_327, %select_n3A_322 : vector<512x128xi1>, vector<512x128xi32>
    %slice3A_329 = vector.extract_strided_slice %sub3A_304 {offsets = [0, 512], sizes = [512, 128], strides = [1, 1]} : vector<512x1024xf32> to vector<512x128xf32>
    %lt3A_330 = arith.cmpf olt, %slice3A_329, %select_n3A_325 : vector<512x128xf32>
    %select_n3A_331 = arith.select %lt3A_330, %slice3A_329, %select_n3A_325 : vector<512x128xi1>, vector<512x128xf32>
    %jit3A_332 = arith.constant 5632 : i32
    %broadcast_in_dim3A_333 = vector.broadcast %jit3A_332 : i32 to vector<512x128xi32>
    %select_n3A_334 = arith.select %lt3A_330, %broadcast_in_dim3A_333, %select_n3A_328 : vector<512x128xi1>, vector<512x128xi32>
    %slice3A_335 = vector.extract_strided_slice %sub3A_304 {offsets = [0, 640], sizes = [512, 128], strides = [1, 1]} : vector<512x1024xf32> to vector<512x128xf32>
    %lt3A_336 = arith.cmpf olt, %slice3A_335, %select_n3A_331 : vector<512x128xf32>
    %select_n3A_337 = arith.select %lt3A_336, %slice3A_335, %select_n3A_331 : vector<512x128xi1>, vector<512x128xf32>
    %jit3A_338 = arith.constant 5760 : i32
    %broadcast_in_dim3A_339 = vector.broadcast %jit3A_338 : i32 to vector<512x128xi32>
    %select_n3A_340 = arith.select %lt3A_336, %broadcast_in_dim3A_339, %select_n3A_334 : vector<512x128xi1>, vector<512x128xi32>
    %slice3A_341 = vector.extract_strided_slice %sub3A_304 {offsets = [0, 768], sizes = [512, 128], strides = [1, 1]} : vector<512x1024xf32> to vector<512x128xf32>
    %lt3A_342 = arith.cmpf olt, %slice3A_341, %select_n3A_337 : vector<512x128xf32>
    %select_n3A_343 = arith.select %lt3A_342, %slice3A_341, %select_n3A_337 : vector<512x128xi1>, vector<512x128xf32>
    %jit3A_344 = arith.constant 5888 : i32
    %broadcast_in_dim3A_345 = vector.broadcast %jit3A_344 : i32 to vector<512x128xi32>
    %select_n3A_346 = arith.select %lt3A_342, %broadcast_in_dim3A_345, %select_n3A_340 : vector<512x128xi1>, vector<512x128xi32>
    %slice3A_347 = vector.extract_strided_slice %sub3A_304 {offsets = [0, 896], sizes = [512, 128], strides = [1, 1]} : vector<512x1024xf32> to vector<512x128xf32>
    %lt3A_348 = arith.cmpf olt, %slice3A_347, %select_n3A_343 : vector<512x128xf32>
    %select_n3A_349 = arith.select %lt3A_348, %slice3A_347, %select_n3A_343 : vector<512x128xi1>, vector<512x128xf32>
    %jit3A_350 = arith.constant 6016 : i32
    %broadcast_in_dim3A_351 = vector.broadcast %jit3A_350 : i32 to vector<512x128xi32>
    %select_n3A_352 = arith.select %lt3A_348, %broadcast_in_dim3A_351, %select_n3A_346 : vector<512x128xi1>, vector<512x128xi32>
    %get3A_353 = arith.constant 6144 : index
    %get3A_354 = arith.constant 0 : index
    %get3A_355 = vector.load %arg2[%get3A_353, %get3A_354] : memref<8192x64xf32, #tpu.memory_space<vmem>>, vector<1024x64xf32>
    %dot_general3A_356 = arith.constant dense<0.000000e+00> : vector<512x1024xf32>
    %dot_general3A_357 = tpu.matmul %slice3A, %get3A_355, %dot_general3A_356 {dimension_numbers = #tpu.dot_dimension_numbers<[1], [1], [0], [0], [0, 0, 1, 0], [], []>, transpose_lhs_hint = false} : vector<512x64xf32>, vector<1024x64xf32>, vector<512x1024xf32> -> vector<512x1024xf32>
    %get3A_358 = arith.constant 0 : index
    %get3A_359 = arith.constant 6144 : index
    %get3A_360 = vector.load %arg3[%get3A_358, %get3A_359] : memref<1x8192xf32, #tpu.memory_space<vmem>>, vector<1x1024xf32>
    %add3A_361 = vector.broadcast %slice3A_2 : vector<512x1xf32> to vector<512x1024xf32>
    %add3A_362 = vector.broadcast %get3A_360 : vector<1x1024xf32> to vector<512x1024xf32>
    %add3A_363 = arith.addf %add3A_361, %add3A_362 : vector<512x1024xf32>
    %sub3A_364 = arith.subf %add3A_363, %dot_general3A_357 : vector<512x1024xf32>
    %slice3A_365 = vector.extract_strided_slice %sub3A_364 {offsets = [0, 0], sizes = [512, 128], strides = [1, 1]} : vector<512x1024xf32> to vector<512x128xf32>
    %lt3A_366 = arith.cmpf olt, %slice3A_365, %select_n3A_349 : vector<512x128xf32>
    %select_n3A_367 = arith.select %lt3A_366, %slice3A_365, %select_n3A_349 : vector<512x128xi1>, vector<512x128xf32>
    %jit3A_368 = arith.constant 6144 : i32
    %broadcast_in_dim3A_369 = vector.broadcast %jit3A_368 : i32 to vector<512x128xi32>
    %select_n3A_370 = arith.select %lt3A_366, %broadcast_in_dim3A_369, %select_n3A_352 : vector<512x128xi1>, vector<512x128xi32>
    %slice3A_371 = vector.extract_strided_slice %sub3A_364 {offsets = [0, 128], sizes = [512, 128], strides = [1, 1]} : vector<512x1024xf32> to vector<512x128xf32>
    %lt3A_372 = arith.cmpf olt, %slice3A_371, %select_n3A_367 : vector<512x128xf32>
    %select_n3A_373 = arith.select %lt3A_372, %slice3A_371, %select_n3A_367 : vector<512x128xi1>, vector<512x128xf32>
    %jit3A_374 = arith.constant 6272 : i32
    %broadcast_in_dim3A_375 = vector.broadcast %jit3A_374 : i32 to vector<512x128xi32>
    %select_n3A_376 = arith.select %lt3A_372, %broadcast_in_dim3A_375, %select_n3A_370 : vector<512x128xi1>, vector<512x128xi32>
    %slice3A_377 = vector.extract_strided_slice %sub3A_364 {offsets = [0, 256], sizes = [512, 128], strides = [1, 1]} : vector<512x1024xf32> to vector<512x128xf32>
    %lt3A_378 = arith.cmpf olt, %slice3A_377, %select_n3A_373 : vector<512x128xf32>
    %select_n3A_379 = arith.select %lt3A_378, %slice3A_377, %select_n3A_373 : vector<512x128xi1>, vector<512x128xf32>
    %jit3A_380 = arith.constant 6400 : i32
    %broadcast_in_dim3A_381 = vector.broadcast %jit3A_380 : i32 to vector<512x128xi32>
    %select_n3A_382 = arith.select %lt3A_378, %broadcast_in_dim3A_381, %select_n3A_376 : vector<512x128xi1>, vector<512x128xi32>
    %slice3A_383 = vector.extract_strided_slice %sub3A_364 {offsets = [0, 384], sizes = [512, 128], strides = [1, 1]} : vector<512x1024xf32> to vector<512x128xf32>
    %lt3A_384 = arith.cmpf olt, %slice3A_383, %select_n3A_379 : vector<512x128xf32>
    %select_n3A_385 = arith.select %lt3A_384, %slice3A_383, %select_n3A_379 : vector<512x128xi1>, vector<512x128xf32>
    %jit3A_386 = arith.constant 6528 : i32
    %broadcast_in_dim3A_387 = vector.broadcast %jit3A_386 : i32 to vector<512x128xi32>
    %select_n3A_388 = arith.select %lt3A_384, %broadcast_in_dim3A_387, %select_n3A_382 : vector<512x128xi1>, vector<512x128xi32>
    %slice3A_389 = vector.extract_strided_slice %sub3A_364 {offsets = [0, 512], sizes = [512, 128], strides = [1, 1]} : vector<512x1024xf32> to vector<512x128xf32>
    %lt3A_390 = arith.cmpf olt, %slice3A_389, %select_n3A_385 : vector<512x128xf32>
    %select_n3A_391 = arith.select %lt3A_390, %slice3A_389, %select_n3A_385 : vector<512x128xi1>, vector<512x128xf32>
    %jit3A_392 = arith.constant 6656 : i32
    %broadcast_in_dim3A_393 = vector.broadcast %jit3A_392 : i32 to vector<512x128xi32>
    %select_n3A_394 = arith.select %lt3A_390, %broadcast_in_dim3A_393, %select_n3A_388 : vector<512x128xi1>, vector<512x128xi32>
    %slice3A_395 = vector.extract_strided_slice %sub3A_364 {offsets = [0, 640], sizes = [512, 128], strides = [1, 1]} : vector<512x1024xf32> to vector<512x128xf32>
    %lt3A_396 = arith.cmpf olt, %slice3A_395, %select_n3A_391 : vector<512x128xf32>
    %select_n3A_397 = arith.select %lt3A_396, %slice3A_395, %select_n3A_391 : vector<512x128xi1>, vector<512x128xf32>
    %jit3A_398 = arith.constant 6784 : i32
    %broadcast_in_dim3A_399 = vector.broadcast %jit3A_398 : i32 to vector<512x128xi32>
    %select_n3A_400 = arith.select %lt3A_396, %broadcast_in_dim3A_399, %select_n3A_394 : vector<512x128xi1>, vector<512x128xi32>
    %slice3A_401 = vector.extract_strided_slice %sub3A_364 {offsets = [0, 768], sizes = [512, 128], strides = [1, 1]} : vector<512x1024xf32> to vector<512x128xf32>
    %lt3A_402 = arith.cmpf olt, %slice3A_401, %select_n3A_397 : vector<512x128xf32>
    %select_n3A_403 = arith.select %lt3A_402, %slice3A_401, %select_n3A_397 : vector<512x128xi1>, vector<512x128xf32>
    %jit3A_404 = arith.constant 6912 : i32
    %broadcast_in_dim3A_405 = vector.broadcast %jit3A_404 : i32 to vector<512x128xi32>
    %select_n3A_406 = arith.select %lt3A_402, %broadcast_in_dim3A_405, %select_n3A_400 : vector<512x128xi1>, vector<512x128xi32>
    %slice3A_407 = vector.extract_strided_slice %sub3A_364 {offsets = [0, 896], sizes = [512, 128], strides = [1, 1]} : vector<512x1024xf32> to vector<512x128xf32>
    %lt3A_408 = arith.cmpf olt, %slice3A_407, %select_n3A_403 : vector<512x128xf32>
    %select_n3A_409 = arith.select %lt3A_408, %slice3A_407, %select_n3A_403 : vector<512x128xi1>, vector<512x128xf32>
    %jit3A_410 = arith.constant 7040 : i32
    %broadcast_in_dim3A_411 = vector.broadcast %jit3A_410 : i32 to vector<512x128xi32>
    %select_n3A_412 = arith.select %lt3A_408, %broadcast_in_dim3A_411, %select_n3A_406 : vector<512x128xi1>, vector<512x128xi32>
    %get3A_413 = arith.constant 7168 : index
    %get3A_414 = arith.constant 0 : index
    %get3A_415 = vector.load %arg2[%get3A_413, %get3A_414] : memref<8192x64xf32, #tpu.memory_space<vmem>>, vector<1024x64xf32>
    %dot_general3A_416 = arith.constant dense<0.000000e+00> : vector<512x1024xf32>
    %dot_general3A_417 = tpu.matmul %slice3A, %get3A_415, %dot_general3A_416 {dimension_numbers = #tpu.dot_dimension_numbers<[1], [1], [0], [0], [0, 0, 1, 0], [], []>, transpose_lhs_hint = false} : vector<512x64xf32>, vector<1024x64xf32>, vector<512x1024xf32> -> vector<512x1024xf32>
    %get3A_418 = arith.constant 0 : index
    %get3A_419 = arith.constant 7168 : index
    %get3A_420 = vector.load %arg3[%get3A_418, %get3A_419] : memref<1x8192xf32, #tpu.memory_space<vmem>>, vector<1x1024xf32>
    %add3A_421 = vector.broadcast %slice3A_2 : vector<512x1xf32> to vector<512x1024xf32>
    %add3A_422 = vector.broadcast %get3A_420 : vector<1x1024xf32> to vector<512x1024xf32>
    %add3A_423 = arith.addf %add3A_421, %add3A_422 : vector<512x1024xf32>
    %sub3A_424 = arith.subf %add3A_423, %dot_general3A_417 : vector<512x1024xf32>
    %slice3A_425 = vector.extract_strided_slice %sub3A_424 {offsets = [0, 0], sizes = [512, 128], strides = [1, 1]} : vector<512x1024xf32> to vector<512x128xf32>
    %lt3A_426 = arith.cmpf olt, %slice3A_425, %select_n3A_409 : vector<512x128xf32>
    %select_n3A_427 = arith.select %lt3A_426, %slice3A_425, %select_n3A_409 : vector<512x128xi1>, vector<512x128xf32>
    %jit3A_428 = arith.constant 7168 : i32
    %broadcast_in_dim3A_429 = vector.broadcast %jit3A_428 : i32 to vector<512x128xi32>
    %select_n3A_430 = arith.select %lt3A_426, %broadcast_in_dim3A_429, %select_n3A_412 : vector<512x128xi1>, vector<512x128xi32>
    %slice3A_431 = vector.extract_strided_slice %sub3A_424 {offsets = [0, 128], sizes = [512, 128], strides = [1, 1]} : vector<512x1024xf32> to vector<512x128xf32>
    %lt3A_432 = arith.cmpf olt, %slice3A_431, %select_n3A_427 : vector<512x128xf32>
    %select_n3A_433 = arith.select %lt3A_432, %slice3A_431, %select_n3A_427 : vector<512x128xi1>, vector<512x128xf32>
    %jit3A_434 = arith.constant 7296 : i32
    %broadcast_in_dim3A_435 = vector.broadcast %jit3A_434 : i32 to vector<512x128xi32>
    %select_n3A_436 = arith.select %lt3A_432, %broadcast_in_dim3A_435, %select_n3A_430 : vector<512x128xi1>, vector<512x128xi32>
    %slice3A_437 = vector.extract_strided_slice %sub3A_424 {offsets = [0, 256], sizes = [512, 128], strides = [1, 1]} : vector<512x1024xf32> to vector<512x128xf32>
    %lt3A_438 = arith.cmpf olt, %slice3A_437, %select_n3A_433 : vector<512x128xf32>
    %select_n3A_439 = arith.select %lt3A_438, %slice3A_437, %select_n3A_433 : vector<512x128xi1>, vector<512x128xf32>
    %jit3A_440 = arith.constant 7424 : i32
    %broadcast_in_dim3A_441 = vector.broadcast %jit3A_440 : i32 to vector<512x128xi32>
    %select_n3A_442 = arith.select %lt3A_438, %broadcast_in_dim3A_441, %select_n3A_436 : vector<512x128xi1>, vector<512x128xi32>
    %slice3A_443 = vector.extract_strided_slice %sub3A_424 {offsets = [0, 384], sizes = [512, 128], strides = [1, 1]} : vector<512x1024xf32> to vector<512x128xf32>
    %lt3A_444 = arith.cmpf olt, %slice3A_443, %select_n3A_439 : vector<512x128xf32>
    %select_n3A_445 = arith.select %lt3A_444, %slice3A_443, %select_n3A_439 : vector<512x128xi1>, vector<512x128xf32>
    %jit3A_446 = arith.constant 7552 : i32
    %broadcast_in_dim3A_447 = vector.broadcast %jit3A_446 : i32 to vector<512x128xi32>
    %select_n3A_448 = arith.select %lt3A_444, %broadcast_in_dim3A_447, %select_n3A_442 : vector<512x128xi1>, vector<512x128xi32>
    %slice3A_449 = vector.extract_strided_slice %sub3A_424 {offsets = [0, 512], sizes = [512, 128], strides = [1, 1]} : vector<512x1024xf32> to vector<512x128xf32>
    %lt3A_450 = arith.cmpf olt, %slice3A_449, %select_n3A_445 : vector<512x128xf32>
    %select_n3A_451 = arith.select %lt3A_450, %slice3A_449, %select_n3A_445 : vector<512x128xi1>, vector<512x128xf32>
    %jit3A_452 = arith.constant 7680 : i32
    %broadcast_in_dim3A_453 = vector.broadcast %jit3A_452 : i32 to vector<512x128xi32>
    %select_n3A_454 = arith.select %lt3A_450, %broadcast_in_dim3A_453, %select_n3A_448 : vector<512x128xi1>, vector<512x128xi32>
    %slice3A_455 = vector.extract_strided_slice %sub3A_424 {offsets = [0, 640], sizes = [512, 128], strides = [1, 1]} : vector<512x1024xf32> to vector<512x128xf32>
    %lt3A_456 = arith.cmpf olt, %slice3A_455, %select_n3A_451 : vector<512x128xf32>
    %select_n3A_457 = arith.select %lt3A_456, %slice3A_455, %select_n3A_451 : vector<512x128xi1>, vector<512x128xf32>
    %jit3A_458 = arith.constant 7808 : i32
    %broadcast_in_dim3A_459 = vector.broadcast %jit3A_458 : i32 to vector<512x128xi32>
    %select_n3A_460 = arith.select %lt3A_456, %broadcast_in_dim3A_459, %select_n3A_454 : vector<512x128xi1>, vector<512x128xi32>
    %slice3A_461 = vector.extract_strided_slice %sub3A_424 {offsets = [0, 768], sizes = [512, 128], strides = [1, 1]} : vector<512x1024xf32> to vector<512x128xf32>
    %lt3A_462 = arith.cmpf olt, %slice3A_461, %select_n3A_457 : vector<512x128xf32>
    %select_n3A_463 = arith.select %lt3A_462, %slice3A_461, %select_n3A_457 : vector<512x128xi1>, vector<512x128xf32>
    %jit3A_464 = arith.constant 7936 : i32
    %broadcast_in_dim3A_465 = vector.broadcast %jit3A_464 : i32 to vector<512x128xi32>
    %select_n3A_466 = arith.select %lt3A_462, %broadcast_in_dim3A_465, %select_n3A_460 : vector<512x128xi1>, vector<512x128xi32>
    %slice3A_467 = vector.extract_strided_slice %sub3A_424 {offsets = [0, 896], sizes = [512, 128], strides = [1, 1]} : vector<512x1024xf32> to vector<512x128xf32>
    %lt3A_468 = arith.cmpf olt, %slice3A_467, %select_n3A_463 : vector<512x128xf32>
    %select_n3A_469 = arith.select %lt3A_468, %slice3A_467, %select_n3A_463 : vector<512x128xi1>, vector<512x128xf32>
    %jit3A_470 = arith.constant 8064 : i32
    %broadcast_in_dim3A_471 = vector.broadcast %jit3A_470 : i32 to vector<512x128xi32>
    %select_n3A_472 = arith.select %lt3A_468, %broadcast_in_dim3A_471, %select_n3A_466 : vector<512x128xi1>, vector<512x128xi32>
    %iota3A = tpu.iota {dimensions = array<i32: 1>} : vector<512x128xi32>
    %add3A_473 = arith.addi %select_n3A_472, %iota3A : vector<512x128xi32>
    %reduce_min3A = arith.constant dense<0x7F800000> : vector<512xf32>
    %reduce_min3A_474 = vector.multi_reduction <minimumf>, %select_n3A_469, %reduce_min3A [1] : vector<512x128xf32> to vector<512xf32>
    %broadcast_in_dim3A_475 = vector.shape_cast %reduce_min3A_474 : vector<512xf32> to vector<512x1xf32>
    %eq3A = vector.broadcast %broadcast_in_dim3A_475 : vector<512x1xf32> to vector<512x128xf32>
    %eq3A_476 = arith.cmpf oeq, %select_n3A_469, %eq3A : vector<512x128xf32>
    %jit3A_477 = arith.constant 8192 : i32
    %broadcast_in_dim3A_478 = vector.broadcast %jit3A_477 : i32 to vector<512x128xi32>
    %select_n3A_479 = arith.select %eq3A_476, %add3A_473, %broadcast_in_dim3A_478 : vector<512x128xi1>, vector<512x128xi32>
    %reduce_min3A_480 = arith.constant dense<2147483647> : vector<512xi32>
    %reduce_min3A_481 = vector.multi_reduction <minsi>, %select_n3A_479, %reduce_min3A_480 [1] : vector<512x128xi32> to vector<512xi32>
    %swap3A = arith.constant 0 : index
    %swap3A_482 = arith.constant 0 : index
    %swap3A_483 = arith.constant 0 : index
    %swap3A_484 = vector.load %arg4[%swap3A, %swap3A_482, %swap3A_483] : memref<1x1x512xi32, #tpu.memory_space<vmem>>, vector<1x1x512xi32>
    %swap3A_485 = vector.shape_cast %swap3A_484 : vector<1x1x512xi32> to vector<512xi32>
    %swap3A_486 = vector.shape_cast %reduce_min3A_481 : vector<512xi32> to vector<1x1x512xi32>
    tpu.vector_store %arg4[%swap3A, %swap3A_482, %swap3A_483], %swap3A_486 {strides = array<i32>} : memref<1x1x512xi32, #tpu.memory_space<vmem>>, vector<1x1x512xi32>,
    %eq3A_487 = arith.constant 0 : i32
    %eq3A_488 = arith.cmpi eq, %arg0, %eq3A_487 : i32
    %convert_element_type3A = arith.extui %eq3A_488 : i1 to i32
    %cond3A = arith.constant 0 : i32
    %cond3A_489 = arith.cmpi ne, %convert_element_type3A, %cond3A : i32
    scf.if %cond3A_489 {
      %swap3A_501 = arith.constant 0.000000e+00 : f32
      %swap3A_502 = arith.constant 0 : index
      %swap3A_503 = arith.constant 0 : index
      %swap3A_504 = memref.load %arg5[%swap3A_502, %swap3A_503] : memref<1x1xf32, #tpu.memory_space<smem>>
      memref.store %swap3A_501, %arg5[%swap3A_502, %swap3A_503] : memref<1x1xf32, #tpu.memory_space<smem>>
    } else {
    }
    %get3A_490 = arith.constant 0 : index
    %get3A_491 = arith.constant 0 : index
    %get3A_492 = memref.load %arg5[%get3A_490, %get3A_491] : memref<1x1xf32, #tpu.memory_space<smem>>
    %reduce_sum3A = vector.shape_cast %broadcast_in_dim3A_475 : vector<512x1xf32> to vector<1x512x1xf32>
    %reduce_sum3A_493 = arith.constant dense<0.000000e+00> : vector<1xf32>
    %reduce_sum3A_494 = vector.multi_reduction <add>, %reduce_sum3A, %reduce_sum3A_493 [1, 2] : vector<1x512x1xf32> to vector<1xf32>
    %reduce_sum3A_495 = vector.shape_cast %reduce_sum3A_494 : vector<1xf32> to vector<1x1x1xf32>
    %reduce_sum3A_496 = vector.extract %reduce_sum3A_495[0, 0, 0] : f32 from vector<1x1x1xf32>
    %add3A_497 = arith.addf %get3A_492, %reduce_sum3A_496 : f32
    %swap3A_498 = arith.constant 0 : index
    %swap3A_499 = arith.constant 0 : index
    %swap3A_500 = memref.load %arg5[%swap3A_498, %swap3A_499] : memref<1x1xf32, #tpu.memory_space<smem>>
    memref.store %add3A_497, %arg5[%swap3A_498, %swap3A_499] : memref<1x1xf32, #tpu.memory_space<smem>>
    return
  }
  func.func @transform_0(%arg0: i32) -> (i32, i32) {
    %c0_i32 = arith.constant 0 : i32
    %c0_i32_0 = arith.constant 0 : i32
    return %arg0, %c0_i32 : i32, i32
  }
  func.func @transform_1(%arg0: i32) -> (i32, i32) {
    %c0_i32 = arith.constant 0 : i32
    %c0_i32_0 = arith.constant 0 : i32
    %c0_i32_1 = arith.constant 0 : i32
    return %c0_i32, %c0_i32_0 : i32, i32
  }
  func.func @transform_2(%arg0: i32) -> (i32, i32) {
    %c0_i32 = arith.constant 0 : i32
    %c0_i32_0 = arith.constant 0 : i32
    %c0_i32_1 = arith.constant 0 : i32
    return %c0_i32, %c0_i32_0 : i32, i32
  }
  func.func @transform_3(%arg0: i32) -> (i32, i32, i32) {
    %c0_i32 = arith.constant 0 : i32
    %c0_i32_0 = arith.constant 0 : i32
    %c0_i32_1 = arith.constant 0 : i32
    return %arg0, %c0_i32, %c0_i32_0 : i32, i32, i32
  }
  func.func @transform_4(%arg0: i32) -> (i32, i32) {
    %c0_i32 = arith.constant 0 : i32
    %c0_i32_0 = arith.constant 0 : i32
    %c0_i32_1 = arith.constant 0 : i32
    return %c0_i32, %c0_i32_0 : i32, i32
  }
}

</mosaic_0001>

<sc_bundles>
// kernel: kernel.4.cloned.1.call-start
scs
__scs_entry_jumppad:
0x0: {  	(pc) =	sbr.rel $0x88, $3  }
0x1: {  	(tag) =	ssettag $0x0;
	lr =	simm.s32 $0x1  }
0x2: {  	[smem:$0x3F9F] =	sst lr;
	_ =	strace $0xD0000000  }
0x3: {  	_ = 	snop  }
0x4: {  	_ = 	snop  }
0x5: {  	_ = 	snop  }
0x6: {  	_ = 	snop  }
0x7: {  	_ = 	snop  }
__scs_overlays_trampoline_lowered:
0x8: {  	[smem:$0x3FAE] =	sst s0  }
0x9: {  	[smem:$0x3FAF] =	sst s1  }
0xa: {  	[smem:$0x3FB0] =	sst s2  }
0xb: {  	[smem:$0x3FB1] =	sst s3  }
0xc: {  	[smem:$0x3FB2] =	sst s4  }
0xd: {  	[smem:$0x3FB3] =	sst s5  }
0xe: {  	[smem:$0x3FB4] =	sst s6  }
0xf: {  	[smem:$0x3FB5] =	sst s7  }
0x10: {  	[smem:$0x3FB6] =	sst s8  }
0x11: {  	[smem:$0x3FB7] =	sst s9;
	s0 =	simm.s32 @!p0 $0x0  }
0x12: {  	s1 =	sld [smem:$0x3F9D];
	s0 =	simm.s32 @p0 $0x1  }
0x13: {  	[smem:$0x3FB8] =	sst s0;
	s0 =	simm.s32 @!p1 $0x0  }
0x14: {  	s2 =	sld [smem:$0x3F9C];
	s0 =	simm.s32 @p1 $0x1  }
0x15: {  	[smem:$0x3FB9] =	sst s0;
	s0 =	simm.s32 @!p2 $0x0  }
0x16: {  	s3 =	sld [smem:$0x3FDB];
	s0 =	simm.s32 @p2 $0x1  }
0x17: {  	s4 =	simm.s32 $0x1BF5;
	[smem:$0x3FBB] =	sst s0  }
0x18: {  	s0 =	sld [smem:$0x3F9E];
	_ =	swait.ge [sflag:s4], $0x0  }
0x19: {  	s7 =	sld [smem:$0x3F9F]  }
0x1a: {  	s8 =	sadd.s32 $0xFFFFE003, lr  }
0x1b: {  	s9 =	sadd.s32 $0xFFFFFEF7, lr;
	s5 =	simm.s32 $0xFFFFFFFF;
	p2 =	slt.u32 s8, $0xFFFFF086  }
0x1c: {  	p1 =	slt.u32 s9, $0xF7A;
	s5 =	simm.s32 @!p2 $0x0  }
0x1d: {  	s5 =	simm.s32 @p1 $0x1;
	p0 =	seq.s32 s7, s2  }
0x1e: {  	s7 =	smul.u32 @!p0 $0xF7A, s2;
	p2 =	seq.s32 @!p0 s5, $0x0  }
0x1f: {  	s9 =	smul.u32 $0xF7A, s1;
	s8 =	simm.s32 @!p0 $0x1BF5;
	p2 =	por !p2, p0  }
0x20: {  	[sflag:s8] =	ssyncset.s32 @!p0 $0xFFFFF086;
	s6 =	sadd.s32 @!p0 s3, s7;
	s7 =	simm.s32 @!p0 $0x108  }
0x21: {  	s3 =	sadd.s32 s3, s9;
	s6 =	sadd.s32 @!p0 $0x88, s6;
	s7 =	simm.s32 @p2 $0x1082  }
0x22: {  	[simem:s7], [sflag:s8] =	dma.local @!p0 [hbm:s6], $0xF7A  }
0x23: {  	s9 =	sor.u32 $0xD0000000, s2;
	s6 =	simm.s32 $0x108;
	_ =	swait.ge @!p0 [sflag:s8], $0x0  }
0x24: {  	s3 =	sadd.s32 $0x88, s3;
	s6 =	simm.s32 @!p1 $0x1082;
	[sflag:s4] =	ssyncset.s32 $0xFFFFF086  }
0x25: {  	[simem:s6], [sflag:s4] =	dma.local [hbm:s3], $0xF7A  }
0x26: {  	[smem:$0x3F9F] =	sst s1;
	(tag) =	ssettag s2;
	_ =	strace s9  }
0x27: {  	s1 =	sld [smem:$0x3FAF]  }
0x28: {  	s2 =	sld [smem:$0x3FB0]  }
0x29: {  	s4 =	sld [smem:$0x3FB2]  }
0x2a: {  	p0 =	seq.s32 s5, $0x0;
	s5 =	sld [smem:$0x3FB3]  }
0x2b: {  	s6 =	sld [smem:$0x3FB4]  }
0x2c: {  	s7 =	sld [smem:$0x3FB5]  }
0x2d: {  	s3 =	simm.s32 $0x108;
	s8 =	sld [smem:$0x3FB6]  }
0x2e: {  	s3 =	simm.s32 @!p0 $0x1082;
	s9 =	sld [smem:$0x3FB7]  }
0x2f: {  	lr =	sadd.s32 s0, s3;
	s0 =	sld [smem:$0x3FAE]  }
0x30: {  	s3 =	sld [smem:$0x3FB1]  }
0x31: {  	[smem:$0x3FBA] =	sst s10  }
0x32: {  	s10 =	sld [smem:$0x3FB8];
	_ =	sdelay $0x3  }
0x33: {  	p0 =	seq.s32 s10, $0x1;
	s10 =	sld [smem:$0x3FBA];
	_ =	sdelay $0x3  }
0x34: {  	[smem:$0x3FBA] =	sst s10  }
0x35: {  	s10 =	sld [smem:$0x3FB9];
	_ =	sdelay $0x3  }
0x36: {  	p1 =	seq.s32 s10, $0x1;
	s10 =	sld [smem:$0x3FBA];
	_ =	sdelay $0x3  }
0x37: {  	[smem:$0x3FBA] =	sst s10  }
0x38: {  	s10 =	sld [smem:$0x3FBB]  }
0x39: {  	_ = 	snop;
	(pc) =	sbr.ind lr, $3  }
0x3a: {  	_ = 	snop  }
0x3b: {  	_ = 	snop  }
0x3c: {  	p2 =	seq.s32 s10, $0x1;
	s10 =	sld [smem:$0x3FBA]  }
0x3d: {  	_ =	shalt  }
0x3e: {  	_ =	shalt  }
0x3f: {  	_ =	shalt  }
0x40: {  	_ =	shalt  }
0x41: {  	_ =	shalt  }
0x42: {  	_ =	shalt  }
0x43: {  	_ =	shalt  }
0x44: {  	_ =	shalt  }
0x45: {  	_ =	shalt  }
0x46: {  	_ =	shalt  }
0x47: {  	_ =	shalt  }
0x48: {  	_ =	shalt  }
0x49: {  	_ =	shalt  }
0x4a: {  	_ =	shalt  }
0x4b: {  	_ =	shalt  }
0x4c: {  	_ =	shalt  }
0x4d: {  	_ =	shalt  }
0x4e: {  	_ =	shalt  }
0x4f: {  	_ =	shalt  }
0x50: {  	_ =	shalt  }
0x51: {  	_ =	shalt  }
0x52: {  	_ =	shalt  }
0x53: {  	_ =	shalt  }
0x54: {  	_ =	shalt  }
0x55: {  	_ =	shalt  }
0x56: {  	_ =	shalt  }
0x57: {  	_ =	shalt  }
0x58: {  	_ =	shalt  }
0x59: {  	_ =	shalt  }
0x5a: {  	_ =	shalt  }
0x5b: {  	_ =	shalt  }
0x5c: {  	_ =	shalt  }
0x5d: {  	_ =	shalt  }
0x5e: {  	_ =	shalt  }
0x5f: {  	_ =	shalt  }
0x60: {  	_ =	shalt  }
0x61: {  	_ =	shalt  }
0x62: {  	_ =	shalt  }
0x63: {  	_ =	shalt  }
0x64: {  	_ =	shalt  }
0x65: {  	_ =	shalt  }
0x66: {  	_ =	shalt  }
0x67: {  	_ =	shalt  }
0x68: {  	_ =	shalt  }
0x69: {  	_ =	shalt  }
0x6a: {  	_ =	shalt  }
0x6b: {  	_ =	shalt  }
0x6c: {  	_ =	shalt  }
0x6d: {  	_ =	shalt  }
0x6e: {  	_ =	shalt  }
0x6f: {  	_ =	shalt  }
0x70: {  	_ =	shalt  }
0x71: {  	_ =	shalt  }
0x72: {  	_ =	shalt  }
0x73: {  	_ =	shalt  }
0x74: {  	_ =	shalt  }
0x75: {  	_ =	shalt  }
0x76: {  	_ =	shalt  }
0x77: {  	_ =	shalt  }
0x78: {  	_ =	shalt  }
0x79: {  	_ =	shalt  }
0x7a: {  	_ =	shalt  }
0x7b: {  	_ =	shalt  }
0x7c: {  	_ =	shalt  }
0x7d: {  	_ =	shalt  }
0x7e: {  	_ =	shalt  }
0x7f: {  	_ =	shalt  }
0x80: {  	_ =	shalt  }
0x81: {  	_ =	shalt  }
0x82: {  	_ =	shalt  }
0x83: {  	_ =	shalt  }
0x84: {  	_ =	shalt  }
0x85: {  	_ =	shalt  }
0x86: {  	_ =	shalt  }
0x87: {  	_ =	shalt  }
.Lfunc_end0:
.L_simem_size_0:
called_computation_lowered:
.L_overlay_start_0:
0x88: {  	s2 =	sld [smem:$0x3FD9]  }
0x89: {  	s3 =	sld [smem:$0x3FFE];
	_ =	sdelay $0x1  }
0x8a: {  	s1 =	srdreg.scid  }
0x8b: {  	s0 =	sand.u32 $0x1, s1  }
0x8c: {  	s15 =	sshll.u32 s0, $0xA;
	s2 =	sadd.s32 s3, s2  }
0x8d: {  	s2 =	sadd.s32 s2, s15  }
0x8e: {  	[smem:$0x3FC6] =	sst s2  }
0x8f: {  	_ = 	snop  }
0x90: {  	s2 =	sld [smem:$0x3FD0];
	_ =	sdelay $0x2  }
0x91: {  	s16 =	simm.s32 $0xA;
	s4 =	simm.s32 $0x10  }
0x92: {  	[smem:s4], [sflag:s16] =	dma.local [hbm:s2], $0x1  }
0x93: {  	_ =	swait.eq [sflag:s16], $0x1  }
0x94: {  	s17 =	sld [smem:$0x10];
	[sflag:s16] =	ssyncset.done $0x0  }
0x95: {  	s18 =	sld [smem:$0x11];
	[sflag:s16] =	ssyncadd.s32 $0xFFFFFFFF  }
0x96: {  	s19 =	sld [smem:$0x12];
	(tm) =	ssettm $0x1  }
0x97: {  	s5 =	sld [smem:$0x3FFB];
	_ =	sdelay $0x3  }
0x98: {  	_ =	strace s5  }
0x99: {  	s5 =	sld [smem:$0x3FFC];
	_ =	sdelay $0x3  }
0x9a: {  	_ =	strace s5  }
0x9b: {  	s5 =	sld [smem:$0x3FFD];
	_ =	sdelay $0x3  }
0x9c: {  	_ =	strace s5  }
0x9d: {  	_ =	strace $0x8FFFFFFF  }
0x9e: {  	s20 =	sld [smem:$0x3FDB];
	_ =	sdelay $0x1  }
0x9f: {  	s6 =	simm.s32 $_scs_section_size  }
0xa0: {  	s7 =	simm.s32 $_size__tile_overlayer_lowered;
	s8 =	simm.s32 $_tile_overlayer_lowered  }
0xa1: {  	s23 =	simm.s32 $0x1BFF;
	s22 =	sshll.u32 s8, $0x1;
	s5 =	sadd.s32 s6, s20  }
0xa2: {  	s9 =	simm.s32 $0x0;
	s21 =	sshll.u32 s7, $0x1;
	s7 =	sadd.s32 s22, s5  }
0xa3: {  	[timem:s9], [sflag:s23] =	dma.local [hbm:s7], s21  }
0xa4: {  	_ =	swait.ge [sflag:s23], s21  }
0xa5: {  	s6 =	ssub.s32 $0x0, s21;
	[sflag:s23] =	ssyncset.done $0x0  }
0xa6: {  	[sflag:s23] =	ssyncadd.s32 s6;
	_ =	sdelay $0x1  }
0xa7: {  	s24 =	simm.s32 $0x1B8B  }
0xa8: {  	_ =	swait.ge [sflag:s24], $0x1  }
0xa9: {  	[sflag:s24] =	ssyncset.done $0x0  }
0xaa: {  	s25 =	simm.s32 $0x1B8E;
	[sflag:s24] =	ssyncadd.s32 $0xFFFFFFFF  }
0xab: {  	s26 =	simm.s32 $execute0_lowered;
	[smem:$0x3FD2] =	sst s25  }
0xac: {  	s6 =	sshll.u32 s26, $0x1;
	_ =	strace $0x80000046;
	[dreg:$0x1] =	wrdreg $0xFFFFFFFF  }
0xad: {  	s28 =	simm.s32 $_size_execute0_lowered;
	s5 =	sadd.s32 s5, s6;
	[dreg:$0x0] =	wrdreg $0x0  }
0xae: {  	s6 =	sshll.u32 s28, $0x1;
	[dreg:$0x2] =	wrdreg s5  }
0xaf: {  	[dreg:$0x3] =	wrdreg s6  }
0xb0: {  	[dreg:$0x4] =	wrdreg $0xC0  }
0xb1: {  	_ =	task [dreg:s9], $0x5FFFF  }
0xb2: {  	[dreg:$0x1] =	wrdreg $0xFFFFFFFF  }
0xb3: {  	[dreg:$0x0] =	wrdreg $0x60  }
0xb4: {  	[dreg:$0x2] =	wrdreg s18  }
0xb5: {  	[dreg:$0x3] =	wrdreg s17  }
0xb6: {  	[dreg:$0x4] =	wrdreg s19  }
0xb7: {  	[dreg:$0x5] =	wrdreg $0x9  }
0xb8: {  	_ =	task.clear_ibuf [dreg:s9], $0x6FFFF;
	_ =	strace $0x90000046  }
0xb9: {  	s29 =	simm.s32 $0x9;
	_ =	strace $0x80000048  }
0xba: {  	_ =	swait.ge [sflag:s29], $0x1  }
0xbb: {  	[sflag:s29] =	ssyncadd.s32 $0xFFFFFFFF  }
0xbc: {  	_ =	strace $0x90000048  }
0xbd: {  	_ =	sfence  }
0xbe: {  	s30 =	sld [smem:$0x0];
	_ =	sdelay $0x2  }
0xbf: {  	s31 =	sshll.u32 s1, $0xD;
	s1 =	sshrl.u32 s1, $0x2  }
0xc0: {  	s3 =	sand.u32 $0x4000, s31;
	s1 =	sadd.s32 s1, s30  }
0xc1: {  	s0 =	sor.u32 s3, s0;
	s1 =	sshll.u32 s1, $0x11  }
0xc2: {  	s0 =	sor.u32 s1, s0  }
0xc3: {  	s0 =	sadd.s32 $0x8F2B, s0  }
0xc4: {  	[sflag:s0] =	ssyncadd.remote.s32 $0x1  }
0xc5: {  	_ =	sfence.sel $0xFFFF  }
0xc6: {  	[dreg:$0x0] =	wrdreg $0xFFFFFFFF;
	(pc) =	sbr.abs _section_cstart, $3  }
0xc7: {  	[dreg:$0x1] =	wrdreg $0xFFFFFFFF  }
0xc8: {  	_ =	task.clear_ibuf [dreg:s9], $0x2FFFF;
	_ =	strace $0x9FFFFFFF  }
0xc9: {  	(tm) =	ssettm $0x7FFFFFFF  }
tec
execute0_lowered:
.L_overlay_start_1:
0x0: {  	(tag) =	ssettag $0x1  }
0x1: {  	s1 =	rddreg [dreg:$0x0]  }
0x2: {  	s2 =	srdreg.scid;
	s0 =	stileid.u32  }
0x3: {  	s4 =	rddreg [dreg:$0x1];
	s6 =	sand.u32 $0x1, s2;
	s30 =	sshll.u32 s0, $0x1  }
0x4: {  	s8 =	rddreg [dreg:$0x2];
	s3 =	simm.s32 $0x0;
	s9 =	sor.u32 s6, s30  }
0x5: {  	[smem:$0x7FF] =	sst s3;
	s5 =	smul.u32 $0x12, s9  }
0x6: {  	s2 =	rddreg [dreg:$0x3];
	_ =	strace $0x80000047  }
0x7: {  	s10 =	ssub.s32 $0x2, s6;
	s5 =	sadd.s32 s4, s5;
	s4 =	simm.s32 $0x2  }
0x8: {  	[tilespmem:s3], [sflag:$0x2] =	stream.linear.gather [hbm4b:s5+s3], $0x90, $0x38;
	[tilespmem:$0x2490] =	vst v63  }
0x9: {  	s11 =	sshrl.u32 s10, $0x1;
	_ =	swait.ge [sflag:s4], $0x90  }
0xa: {  	s7 =	simm.s32 $0x1;
	s10 =	ssub.s32 s10, s11;
	[sflag:s4] =	ssyncset.done $0x0  }
0xb: {  	s6 =	simm.s32 $0x90;
	s31 =	smax.u32 s10, $0x1;
	[sflag:s4] =	ssyncadd.s32 $0xFFFFFF70  }
0xc: {  	[tilespmem:s6], [sflag:$0x1] =	stream.indirect.gather [hbm4b:s1+s6], $0x40, s3, s6, $0xb8;
	[tilespmem:$0x2490] =	vst v63  }
0xd: {  	s9 =	smul.u32 $0x480, s9;
	p0 =	sne.s32 s31, $0x1;
	_ =	swait.ge [sflag:s7], $0x2400  }
.Ltmp0:
0xe: {  	[sflag:s7] =	ssyncset.done $0x0;
	(pc) =	sbr.rel @!p0 .LBB2_2-.Ltmp0, $4  }
0xf: {  	s8 =	sadd.s32 s8, s9;
	[sflag:s7] =	ssyncadd.s32 $0xFFFFDC00  }
0x10: {  	[hbm4b:s8+s3] =	stream.linear.scatter [tilespmem:s6], [sflag:$0x2], $0x2400, $0x38;
	[tilespmem:$0x2490] =	vst v63  }
0x11: {  	_ =	swait.ge [sflag:s4], $0x2400  }
0x12: {  	s9 =	sadd.s32 $0xFFFFFFFF, s31;
	[sflag:s4] =	ssyncset.done $0x0  }
.LBB2_1:
0x13: {  	p0 =	sne.s32 s9, $0x1;
	s9 =	sadd.s32 $0xFFFFFFFF, s9;
	[sflag:s4] =	ssyncadd.s32 $0xFFFFDC00  }
0x14: {  	[tilespmem:s3], [sflag:$0x2] =	stream.linear.gather [hbm4b:s5+s3], $0x90, $0x38;
	[tilespmem:$0x2490] =	vst v63  }
0x15: {  	_ =	swait.ge [sflag:s4], $0x90  }
0x16: {  	[sflag:s4] =	ssyncset.done $0x0  }
0x17: {  	[sflag:s4] =	ssyncadd.s32 $0xFFFFFF70  }
0x18: {  	[tilespmem:s6], [sflag:$0x1] =	stream.indirect.gather [hbm4b:s1+s6], $0x40, s3, s6, $0xb8;
	[tilespmem:$0x2490] =	vst v63  }
0x19: {  	_ =	swait.ge [sflag:s7], $0x2400  }
.Ltmp1:
0x1a: {  	[sflag:s7] =	ssyncset.done $0x0;
	(pc) =	sbr.rel @p0 .LBB2_1-.Ltmp1, $4  }
0x1b: {  	[sflag:s7] =	ssyncadd.s32 $0xFFFFDC00  }
0x1c: {  	[hbm4b:s8+s3] =	stream.linear.scatter [tilespmem:s6], [sflag:$0x2], $0x2400, $0x38;
	[tilespmem:$0x2490] =	vst v63  }
0x1d: {  	_ =	swait.ge [sflag:s4], $0x2400  }
0x1e: {  	[sflag:s4] =	ssyncset.done $0x0  }
.LBB2_2:
0x1f: {  	[sflag:s4] =	ssyncadd.s32 $0xFFFFDC00  }
0x20: {  	_ =	sfence.sel $0x180000  }
0x21: {  	[bflag:$0x0] =	sbarrier.arrive $0xFFFF  }
0x22: {  	p0 =	sne.s32 s0, $0x0;
	_ =	strace $0x90000047  }
0x23: {  	s0 =	sadd.s32 @!p0 $0x100000, s2;
	[bflag:$0x2] =	sbarrier.arrive $0xFFFF  }
0x24: {  	[sflag:s0] =	ssyncadd.tile.s32 @!p0 $0x1;
	_ =	shalt  }
.Lfunc_end2:
_tile_overlayer_lowered:
.L_overlay_start_2:
0x25: {  	(tag) =	ssettag $0x2  }
0x26: {  	s0 =	rddreg [dreg:$0x0];
	s2 =	stileid.u32  }
0x27: {  	s1 =	rddreg [dreg:$0x1];
	p0 =	sne.s32 s2, $0x0  }
0x28: {  	s3 =	rddreg [dreg:$0x2];
	[bflag:$0x3] =	sbarrier.arrive $0xFFFF;
	s2 =	simm.s32 @!p0 $0x1C02  }
0x29: {  	[timem:s3], [sflag:s2] =	dma.local @!p0 [hbm:s0], s1  }
0x2a: {  	s0 =	simm.s32 @!p0 $0x2  }
0x2b: {  	_ =	swait.ge @!p0 [sflag:s0], s1  }
0x2c: {  	s1 =	ssub.s32 @!p0 $0x0, s1;
	[sflag:s0] =	ssyncset.done @!p0 $0x0  }
0x2d: {  	[sflag:s0] =	ssyncadd.s32 @!p0 s1  }
0x2e: {  	[bflag:$0x3] =	sbarrier.arrive $0xFFFF  }
0x2f: {  	_ =	shalt  }

</sc_bundles>
